<compile_context>
chip_gen: v7x
topology: tpu7x:2x2x1
jax: 0.10.2.dev20260603
libtpu: 0.0.44.dev20260713+nightly
codegen_flags: <defaults>
</compile_context>

<pallas_src>
import functools

import jax
import jax.numpy as jnp
from jax import lax
from jax.experimental import pallas as pl
from jax.experimental.pallas import tpu as pltpu
from jax.experimental.pallas import tpu_sc as plsc

N = 10000
E = 320000
C = 128

NW = 32
CH = 64
K = 160
EPAD = NW * CH * K
NP = 10112
ZR = NP // 16


def _lin_in_body(x_ref, win_ref, bin_ref, wggc_ref, h_ref, m_ref):
    h = jnp.dot(x_ref[...], win_ref[...],
                preferred_element_type=jnp.float32) + bin_ref[...]
    h_ref[...] = h
    m_ref[...] = jnp.dot(h, wggc_ref[...],
                         preferred_element_type=jnp.float32).astype(jnp.bfloat16)


def _lin_in(x, W_in, b_in, W_ggc, blk=1000):
    grid = (N // blk,)
    return pl.pallas_call(
        _lin_in_body,
        grid=grid,
        in_specs=[
            pl.BlockSpec((blk, C), lambda i: (i, 0)),
            pl.BlockSpec((C, C), lambda i: (0, 0)),
            pl.BlockSpec((1, C), lambda i: (0, 0)),
            pl.BlockSpec((C, C), lambda i: (0, 0)),
        ],
        out_specs=[
            pl.BlockSpec((blk, C), lambda i: (i, 0)),
            pl.BlockSpec((blk, C), lambda i: (i, 0)),
        ],
        out_shape=[
            jax.ShapeDtypeStruct((N, C), jnp.float32),
            jax.ShapeDtypeStruct((N, C), jnp.bfloat16),
        ],
    )(x, W_in, b_in.reshape(1, C), W_ggc)


DEPTH = 4


def _unpack_chunk(packed_v, unp, j, r_src, r_dst):
    row = j // 2
    col0 = (j % 2) * CH
    for t in range(CH // 16):
        v = packed_v[row, pl.ds(col0 + t * 16, 16)]
        unp[r_src, pl.ds(t * 16, 16)] = v & 0xFFFF
        unp[r_dst, pl.ds(t * 16, 16)] = v >> 16


def _seg_sum_body(m_hbm, packed_hbm, zeros_hbm, p0_hbm, p1_hbm,
                  agg, m_sp, packed_v, unp, rows, sems):
    c = lax.axis_index("c")
    s = lax.axis_index("s")
    w = c * 16 + s

    pltpu.sync_copy(zeros_hbm, agg.at[pl.ds(s * ZR, ZR)])
    @pl.when(s < 15)
    def _():
        pltpu.sync_copy(m_hbm.at[pl.ds(s * ZR, ZR)],
                        m_sp.at[pl.ds(s * ZR, ZR)])

    @pl.when(s == 15)
    def _():
        pltpu.sync_copy(m_hbm.at[pl.ds(15 * ZR, N - 15 * ZR)],
                        m_sp.at[pl.ds(15 * ZR, N - 15 * ZR)])

    pltpu.sync_copy(packed_hbm.at[w], packed_v)
    plsc.subcore_barrier()

    for b in range(DEPTH):
        _unpack_chunk(packed_v, unp, b, b, DEPTH + b)
        pltpu.async_copy(m_sp.at[unp.at[b]], rows[b], sems[b])

    def block(i, carry):
        j0 = DEPTH * i
        for b in range(DEPTH):
            j = j0 + b
            pltpu.make_async_copy(m_sp.at[unp.at[b]], rows[b],
                                  sems[b]).wait()
            pltpu.sync_copy(rows[b], agg.at[unp.at[DEPTH + b]], add=True)

            @pl.when(j + DEPTH < K)
            def _(b=b, j=j):
                _unpack_chunk(packed_v, unp, j + DEPTH, b, DEPTH + b)
                pltpu.async_copy(m_sp.at[unp.at[b]], rows[b], sems[b])

        return carry

    lax.fori_loop(0, K // DEPTH, block, 0)
    plsc.subcore_barrier()

    @pl.when(c == 0)
    def _():
        pltpu.sync_copy(agg.at[pl.ds(s * ZR, ZR)],
                        p0_hbm.at[pl.ds(s * ZR, ZR)])

    @pl.when(c == 1)
    def _():
        pltpu.sync_copy(agg.at[pl.ds(s * ZR, ZR)],
                        p1_hbm.at[pl.ds(s * ZR, ZR)])


def _seg_sum(m, packed, zeros):
    mesh = plsc.VectorSubcoreMesh(core_axis_name="c", subcore_axis_name="s")

    def body(m_hbm, packed_hbm, zeros_hbm, p0_hbm, p1_hbm, agg, m_sp,
             packed_v, unp, r0, r1, r2, r3, s0, s1, s2, s3):
        _seg_sum_body(m_hbm, packed_hbm, zeros_hbm, p0_hbm, p1_hbm,
                      agg, m_sp, packed_v, unp, [r0, r1, r2, r3],
                      [s0, s1, s2, s3])

    f = pl.kernel(
        body,
        out_type=[jax.ShapeDtypeStruct((NP, C), jnp.bfloat16),
                  jax.ShapeDtypeStruct((NP, C), jnp.bfloat16)],
        mesh=mesh,
        compiler_params=pltpu.CompilerParams(use_tc_tiling_on_sc=False),
        scratch_types=(
            [pltpu.VMEM_SHARED((NP, C), jnp.bfloat16),
             pltpu.VMEM_SHARED((NP, C), jnp.bfloat16),
             pltpu.VMEM((K // 2, 2 * CH), jnp.int32),
             pltpu.VMEM((2 * DEPTH, CH), jnp.int32)]
            + [pltpu.VMEM((CH, C), jnp.bfloat16)] * DEPTH
            + [pltpu.SemaphoreType.DMA] * DEPTH
        ),
    )
    return f(m, packed, zeros)


def _gh_body(h_ref, whh_ref, bhh_ref, gh_ref):
    gh_ref[...] = jnp.dot(h_ref[...], whh_ref[...],
                          preferred_element_type=jnp.float32) + bhh_ref[...]


def _gh(h, W_hhT, b_hh, blk=1000):
    G = 3 * C
    return pl.pallas_call(
        _gh_body,
        grid=(N // blk,),
        in_specs=[
            pl.BlockSpec((blk, C), lambda i: (i, 0)),
            pl.BlockSpec((C, G), lambda i: (0, 0)),
            pl.BlockSpec((1, G), lambda i: (0, 0)),
        ],
        out_specs=pl.BlockSpec((blk, G), lambda i: (i, 0)),
        out_shape=jax.ShapeDtypeStruct((N, G), jnp.float32),
    )(h, W_hhT, b_hh.reshape(1, G))


def _gru_body(a0_ref, a1_ref, h_ref, gh_ref, wih_ref, bih_ref,
              wout_ref, bout_ref, out_ref):
    agg = a0_ref[...].astype(jnp.float32) + a1_ref[...].astype(jnp.float32)
    h = h_ref[...]
    gi = jnp.dot(agg, wih_ref[...],
                 preferred_element_type=jnp.float32) + bih_ref[...]
    gh = gh_ref[...]
    r = jax.nn.sigmoid(gi[:, :C] + gh[:, :C])
    z = jax.nn.sigmoid(gi[:, C:2 * C] + gh[:, C:2 * C])
    n = jnp.tanh(gi[:, 2 * C:] + r * gh[:, 2 * C:])
    hn = (1.0 - z) * n + z * h
    out_ref[...] = jnp.dot(hn, wout_ref[...],
                           preferred_element_type=jnp.float32) + bout_ref[...]


def _gru_out(a0, a1, h, gh, W_ihT, b_ih, W_out, b_out, blk=1000):
    grid = (N // blk,)
    G = 3 * C
    return pl.pallas_call(
        _gru_body,
        grid=grid,
        in_specs=[
            pl.BlockSpec((blk, C), lambda i: (i, 0)),
            pl.BlockSpec((blk, C), lambda i: (i, 0)),
            pl.BlockSpec((blk, C), lambda i: (i, 0)),
            pl.BlockSpec((blk, G), lambda i: (i, 0)),
            pl.BlockSpec((C, G), lambda i: (0, 0)),
            pl.BlockSpec((1, G), lambda i: (0, 0)),
            pl.BlockSpec((C, C), lambda i: (0, 0)),
            pl.BlockSpec((1, C), lambda i: (0, 0)),
        ],
        out_specs=pl.BlockSpec((blk, C), lambda i: (i, 0)),
        out_shape=jax.ShapeDtypeStruct((N, C), jnp.float32),
    )(a0, a1, h, gh, W_ihT, b_ih.reshape(1, G),
      W_out, b_out.reshape(1, C))


def kernel(x, edge_index, W_in, b_in, W_ggc, W_ih, b_ih, W_hh, b_hh,
           W_out, b_out):
    src = edge_index[0].astype(jnp.int32)
    dst = edge_index[1].astype(jnp.int32)
    pad = EPAD - E
    packed = jnp.concatenate(
        [src | (dst << 16),
         jnp.full((pad,), N << 16, jnp.int32)]).reshape(NW, K // 2, 2 * CH)
    zeros = jnp.zeros((ZR, C), jnp.bfloat16)

    h, m = _lin_in(x, W_in, b_in, W_ggc)
    gh = _gh(h, W_hh.T, b_hh)
    p0, p1 = _seg_sum(m, packed, zeros)
    return _gru_out(p0, p1, h, gh, W_ih.T, b_ih, W_out, b_out)

# --- scband reference (transcript-rebuilt; emitter-appended) ---
"""Pipeline reference for scband-gated-graph-layer-55027120996491 (READ-ONLY COPY).

The authoritative reference and input builder live on the scoring server;
editing this copy changes nothing except your own understanding.
"""

import jax, jax.numpy as jnp
import numpy as np

N = 10000
E = 320000
IN_CH = 128
HID = 128
OUT_CH = 128


def setup_inputs(seed: int = 0) -> dict:
    key = jax.random.key(seed)
    ks = jax.random.split(key, 12)
    x = jax.random.normal(ks[0], (N, IN_CH), dtype=jnp.float32)
    edge_index = jax.random.randint(ks[1], (2, E), 0, N, dtype=jnp.int64)
    s = 0.05
    W_in = jax.random.normal(ks[2], (IN_CH, HID), dtype=jnp.float32) * s
    b_in = jax.random.normal(ks[3], (HID,), dtype=jnp.float32) * s
    W_ggc = jax.random.normal(ks[4], (HID, HID), dtype=jnp.float32) * s
    W_ih = jax.random.normal(ks[5], (3 * HID, HID), dtype=jnp.float32) * s
    b_ih = jax.random.normal(ks[6], (3 * HID,), dtype=jnp.float32) * s
    W_hh = jax.random.normal(ks[7], (3 * HID, HID), dtype=jnp.float32) * s
    b_hh = jax.random.normal(ks[8], (3 * HID,), dtype=jnp.float32) * s
    W_out = jax.random.normal(ks[9], (HID, OUT_CH), dtype=jnp.float32) * s
    b_out = jax.random.normal(ks[10], (OUT_CH,), dtype=jnp.float32) * s
    return {
        "x": x, "edge_index": edge_index,
        "W_in": W_in, "b_in": b_in, "W_ggc": W_ggc,
        "W_ih": W_ih, "b_ih": b_ih, "W_hh": W_hh, "b_hh": b_hh,
        "W_out": W_out, "b_out": b_out,
    }


def reference(x, edge_index, W_in, b_in, W_ggc, W_ih, b_ih, W_hh, b_hh, W_out, b_out):
    # lin_in
    h = x @ W_in + b_in
    # GatedGraphConv, single step:
    # m = h @ weight[0]; aggregate m[src] into dst via sum; GRUCell(agg, h)
    m = h @ W_ggc
    src = edge_index[0]
    dst = edge_index[1]
    agg = jax.ops.segment_sum(m[src], dst, num_segments=h.shape[0])
    # torch.nn.GRUCell math
    gi = agg @ W_ih.T + b_ih
    gh = h @ W_hh.T + b_hh
    i_r, i_z, i_n = jnp.split(gi, 3, axis=1)
    h_r, h_z, h_n = jnp.split(gh, 3, axis=1)
    r = jax.nn.sigmoid(i_r + h_r)
    z = jax.nn.sigmoid(i_z + h_z)
    n = jnp.tanh(i_n + r * h_n)
    h = (1.0 - z) * n + z * h
    # lin_out
    out = h @ W_out + b_out
    return out

if __name__ == "__main__":
    import jax
    _d = setup_inputs()
    print(jax.jit(kernel)(*tuple(_d.values())))

</pallas_src>

<mosaic_0001>
#map = affine_map<(d0, d1) -> (0, 0)>
#map1 = affine_map<(d0, d1) -> (0, 0, 0)>
module attributes {stable_mosaic.version = 14 : i64} {
  func.func @body(%arg0: i32, %arg1: i32, %arg2: memref<10000x128xbf16, #tpu.memory_space<hbm>>, %arg3: memref<32x80x128xi32, #tpu.memory_space<hbm>>, %arg4: memref<632x128xbf16, #tpu.memory_space<hbm>>, %arg5: memref<10112x128xbf16, #tpu.memory_space<hbm>>, %arg6: memref<10112x128xbf16, #tpu.memory_space<hbm>>, %arg7: memref<10112x128xbf16, #tpu.memory_space<vmem_shared>>, %arg8: memref<10112x128xbf16, #tpu.memory_space<vmem_shared>>, %arg9: memref<80x128xi32, #tpu.memory_space<vmem>>, %arg10: memref<8x64xi32, #tpu.memory_space<vmem>>, %arg11: memref<64x128xbf16, #tpu.memory_space<vmem>>, %arg12: memref<64x128xbf16, #tpu.memory_space<vmem>>, %arg13: memref<64x128xbf16, #tpu.memory_space<vmem>>, %arg14: memref<64x128xbf16, #tpu.memory_space<vmem>>, %arg15: memref<!tpu.dma_semaphore, #tpu.memory_space<semaphore_mem>>, %arg16: memref<!tpu.dma_semaphore, #tpu.memory_space<semaphore_mem>>, %arg17: memref<!tpu.dma_semaphore, #tpu.memory_space<semaphore_mem>>, %arg18: memref<!tpu.dma_semaphore, #tpu.memory_space<semaphore_mem>>) attributes {dimension_semantics = [#tpu.dimension_semantics<core_parallel>, #tpu.dimension_semantics<subcore_parallel>], iteration_bounds = array<i64: 2, 16>, scalar_prefetch = 0 : i64, scratch_operands = 12 : i64, tpu.core_type = #tpu.core_type<sc_vector_subcore>, window_params = [{transform_indices = #map}, {transform_indices = #map1}, {transform_indices = #map}, {transform_indices = #map}, {transform_indices = #map}]} {
    %mul3A = arith.constant 16 : i32
    %mul3A_0 = arith.muli %arg0, %mul3A : i32
    %add3A = arith.addi %mul3A_0, %arg1 : i32
    %mul3A_1 = arith.constant 632 : i32
    %mul3A_2 = arith.muli %arg1, %mul3A_1 : i32
    "tpu.region"() ({
      %run_scoped3A = tpu.sem_alloc : memref<!tpu.dma_semaphore, #tpu.memory_space<semaphore_mem>>
      %dma_start3A_416 = arith.constant 0 : i32
      %dma_start3A_417 = tpu.memref_slice %arg7[%mul3A_2, %dma_start3A_416] : memref<10112x128xbf16, #tpu.memory_space<vmem_shared>> -> memref<632x128xbf16, #tpu.memory_space<vmem_shared>>
      tpu.enqueue_dma source(%arg4 : memref<632x128xbf16, #tpu.memory_space<hbm>>) target(%dma_start3A_417 : memref<632x128xbf16, #tpu.memory_space<vmem_shared>>) target_semaphore(%run_scoped3A : memref<!tpu.dma_semaphore, #tpu.memory_space<semaphore_mem>>)
      %dma_wait3A = arith.constant 0 : i32
      %dma_wait3A_418 = tpu.memref_slice %arg7[%mul3A_2, %dma_wait3A] : memref<10112x128xbf16, #tpu.memory_space<vmem_shared>> -> memref<632x128xbf16, #tpu.memory_space<vmem_shared>>
      tpu.wait_dma2 semaphore(%run_scoped3A : memref<!tpu.dma_semaphore, #tpu.memory_space<semaphore_mem>>) src(%arg4 : memref<632x128xbf16, #tpu.memory_space<hbm>>) dst(%dma_wait3A_418 : memref<632x128xbf16, #tpu.memory_space<vmem_shared>>)
      tpu.yield
    }) : () -> ()
    %lt3A = arith.constant 15 : i32
    %lt3A_3 = arith.cmpi slt, %arg1, %lt3A : i32
    %convert_element_type3A = arith.extui %lt3A_3 : i1 to i32
    %cond3A = arith.constant 0 : i32
    %cond3A_4 = arith.cmpi ne, %convert_element_type3A, %cond3A : i32
    scf.if %cond3A_4 {
      %mul3A_416 = arith.constant 632 : i32
      %mul3A_417 = arith.muli %arg1, %mul3A_416 : i32
      %mul3A_418 = arith.constant 632 : i32
      %mul3A_419 = arith.muli %arg1, %mul3A_418 : i32
      "tpu.region"() ({
        %run_scoped3A = tpu.sem_alloc : memref<!tpu.dma_semaphore, #tpu.memory_space<semaphore_mem>>
        %dma_start3A_420 = arith.constant 0 : i32
        %dma_start3A_421 = tpu.memref_slice %arg8[%mul3A_419, %dma_start3A_420] : memref<10112x128xbf16, #tpu.memory_space<vmem_shared>> -> memref<632x128xbf16, #tpu.memory_space<vmem_shared>>
        %dma_start3A_422 = arith.constant 0 : i32
        %dma_start3A_423 = tpu.memref_slice %arg2[%mul3A_417, %dma_start3A_422] : memref<10000x128xbf16, #tpu.memory_space<hbm>> -> memref<632x128xbf16, #tpu.memory_space<hbm>>
        tpu.enqueue_dma source(%dma_start3A_423 : memref<632x128xbf16, #tpu.memory_space<hbm>>) target(%dma_start3A_421 : memref<632x128xbf16, #tpu.memory_space<vmem_shared>>) target_semaphore(%run_scoped3A : memref<!tpu.dma_semaphore, #tpu.memory_space<semaphore_mem>>)
        %dma_wait3A = arith.constant 0 : i32
        %dma_wait3A_424 = tpu.memref_slice %arg8[%mul3A_419, %dma_wait3A] : memref<10112x128xbf16, #tpu.memory_space<vmem_shared>> -> memref<632x128xbf16, #tpu.memory_space<vmem_shared>>
        %dma_wait3A_425 = arith.constant 0 : i32
        %dma_wait3A_426 = tpu.memref_slice %arg2[%mul3A_417, %dma_wait3A_425] : memref<10000x128xbf16, #tpu.memory_space<hbm>> -> memref<632x128xbf16, #tpu.memory_space<hbm>>
        tpu.wait_dma2 semaphore(%run_scoped3A : memref<!tpu.dma_semaphore, #tpu.memory_space<semaphore_mem>>) src(%dma_wait3A_426 : memref<632x128xbf16, #tpu.memory_space<hbm>>) dst(%dma_wait3A_424 : memref<632x128xbf16, #tpu.memory_space<vmem_shared>>)
        tpu.yield
      }) : () -> ()
    } else {
    }
    %eq3A = arith.constant 15 : i32
    %eq3A_5 = arith.cmpi eq, %arg1, %eq3A : i32
    %convert_element_type3A_6 = arith.extui %eq3A_5 : i1 to i32
    %cond3A_7 = arith.constant 0 : i32
    %cond3A_8 = arith.cmpi ne, %convert_element_type3A_6, %cond3A_7 : i32
    scf.if %cond3A_8 {
      "tpu.region"() ({
        %run_scoped3A = tpu.sem_alloc : memref<!tpu.dma_semaphore, #tpu.memory_space<semaphore_mem>>
        %dma_start3A_416 = arith.constant 9480 : i32
        %dma_start3A_417 = arith.constant 0 : i32
        %dma_start3A_418 = tpu.memref_slice %arg8[%dma_start3A_416, %dma_start3A_417] : memref<10112x128xbf16, #tpu.memory_space<vmem_shared>> -> memref<520x128xbf16, #tpu.memory_space<vmem_shared>>
        %dma_start3A_419 = arith.constant 9480 : i32
        %dma_start3A_420 = arith.constant 0 : i32
        %dma_start3A_421 = tpu.memref_slice %arg2[%dma_start3A_419, %dma_start3A_420] : memref<10000x128xbf16, #tpu.memory_space<hbm>> -> memref<520x128xbf16, #tpu.memory_space<hbm>>
        tpu.enqueue_dma source(%dma_start3A_421 : memref<520x128xbf16, #tpu.memory_space<hbm>>) target(%dma_start3A_418 : memref<520x128xbf16, #tpu.memory_space<vmem_shared>>) target_semaphore(%run_scoped3A : memref<!tpu.dma_semaphore, #tpu.memory_space<semaphore_mem>>)
        %dma_wait3A = arith.constant 9480 : i32
        %dma_wait3A_422 = arith.constant 0 : i32
        %dma_wait3A_423 = tpu.memref_slice %arg8[%dma_wait3A, %dma_wait3A_422] : memref<10112x128xbf16, #tpu.memory_space<vmem_shared>> -> memref<520x128xbf16, #tpu.memory_space<vmem_shared>>
        %dma_wait3A_424 = arith.constant 9480 : i32
        %dma_wait3A_425 = arith.constant 0 : i32
        %dma_wait3A_426 = tpu.memref_slice %arg2[%dma_wait3A_424, %dma_wait3A_425] : memref<10000x128xbf16, #tpu.memory_space<hbm>> -> memref<520x128xbf16, #tpu.memory_space<hbm>>
        tpu.wait_dma2 semaphore(%run_scoped3A : memref<!tpu.dma_semaphore, #tpu.memory_space<semaphore_mem>>) src(%dma_wait3A_426 : memref<520x128xbf16, #tpu.memory_space<hbm>>) dst(%dma_wait3A_423 : memref<520x128xbf16, #tpu.memory_space<vmem_shared>>)
        tpu.yield
      }) : () -> ()
    } else {
    }
    "tpu.region"() ({
      %run_scoped3A = tpu.sem_alloc : memref<!tpu.dma_semaphore, #tpu.memory_space<semaphore_mem>>
      %dma_start3A_416 = arith.constant 0 : i32
      %dma_start3A_417 = arith.constant 0 : i32
      %dma_start3A_418 = tpu.memref_slice %arg3[%add3A, %dma_start3A_416, %dma_start3A_417] : memref<32x80x128xi32, #tpu.memory_space<hbm>> -> memref<1x80x128xi32, #tpu.memory_space<hbm>>
      %dma_start3A_419 = tpu.memref_squeeze %dma_start3A_418 : memref<1x80x128xi32, #tpu.memory_space<hbm>> -> memref<80x128xi32, #tpu.memory_space<hbm>>
      %dma_start3A_420 = arith.constant 0 : i32
      %dma_start3A_421 = arith.constant 0 : i32
      %dma_start3A_422 = tpu.memref_slice %arg3[%add3A, %dma_start3A_420, %dma_start3A_421] : memref<32x80x128xi32, #tpu.memory_space<hbm>> -> memref<1x80x128xi32, #tpu.memory_space<hbm>>
      %dma_start3A_423 = tpu.memref_squeeze %dma_start3A_422 : memref<1x80x128xi32, #tpu.memory_space<hbm>> -> memref<80x128xi32, #tpu.memory_space<hbm>>
      tpu.enqueue_dma source(%dma_start3A_423 : memref<80x128xi32, #tpu.memory_space<hbm>>) target(%arg9 : memref<80x128xi32, #tpu.memory_space<vmem>>) target_semaphore(%run_scoped3A : memref<!tpu.dma_semaphore, #tpu.memory_space<semaphore_mem>>)
      %dma_wait3A = arith.constant 0 : i32
      %dma_wait3A_424 = arith.constant 0 : i32
      %dma_wait3A_425 = tpu.memref_slice %arg3[%add3A, %dma_wait3A, %dma_wait3A_424] : memref<32x80x128xi32, #tpu.memory_space<hbm>> -> memref<1x80x128xi32, #tpu.memory_space<hbm>>
      %dma_wait3A_426 = tpu.memref_squeeze %dma_wait3A_425 : memref<1x80x128xi32, #tpu.memory_space<hbm>> -> memref<80x128xi32, #tpu.memory_space<hbm>>
      %dma_wait3A_427 = arith.constant 0 : i32
      %dma_wait3A_428 = arith.constant 0 : i32
      %dma_wait3A_429 = tpu.memref_slice %arg3[%add3A, %dma_wait3A_427, %dma_wait3A_428] : memref<32x80x128xi32, #tpu.memory_space<hbm>> -> memref<1x80x128xi32, #tpu.memory_space<hbm>>
      %dma_wait3A_430 = tpu.memref_squeeze %dma_wait3A_429 : memref<1x80x128xi32, #tpu.memory_space<hbm>> -> memref<80x128xi32, #tpu.memory_space<hbm>>
      tpu.wait_dma2 semaphore(%run_scoped3A : memref<!tpu.dma_semaphore, #tpu.memory_space<semaphore_mem>>) src(%dma_wait3A_430 : memref<80x128xi32, #tpu.memory_space<hbm>>) dst(%arg9 : memref<80x128xi32, #tpu.memory_space<vmem>>)
      tpu.yield
    }) : () -> ()
    %barrier3A = arith.constant 0 : index
    tpu.barrier barrier_id(%barrier3A)
    %get3A = arith.constant 0 : i32
    %get3A_9 = arith.index_cast %get3A : i32 to index
    %get3A_10 = arith.constant 0 : index
    %get3A_11 = tpu.vector_load %arg9[%get3A_9, %get3A_10] {strides = array<i32>} : memref<80x128xi32, #tpu.memory_space<vmem>>, vector<1x16xi32>,
    %get3A_12 = vector.shape_cast %get3A_11 : vector<1x16xi32> to vector<16xi32>
    %and3A = arith.constant 65535 : i32
    %and3A_13 = vector.broadcast %and3A : i32 to vector<16xi32>
    %and3A_14 = arith.andi %get3A_12, %and3A_13 : vector<16xi32>
    %swap3A = arith.constant 0 : i32
    %swap3A_15 = arith.index_cast %swap3A : i32 to index
    %swap3A_16 = arith.constant 0 : index
    %swap3A_17 = tpu.vector_load %arg10[%swap3A_15, %swap3A_16] {strides = array<i32>} : memref<8x64xi32, #tpu.memory_space<vmem>>, vector<1x16xi32>,
    %swap3A_18 = vector.shape_cast %swap3A_17 : vector<1x16xi32> to vector<16xi32>
    %swap3A_19 = vector.shape_cast %and3A_14 : vector<16xi32> to vector<1x16xi32>
    tpu.vector_store %arg10[%swap3A_15, %swap3A_16], %swap3A_19 {strides = array<i32>} : memref<8x64xi32, #tpu.memory_space<vmem>>, vector<1x16xi32>,
    %shift_right_arithmetic3A = arith.constant 16 : i32
    %shift_right_arithmetic3A_20 = vector.broadcast %shift_right_arithmetic3A : i32 to vector<16xi32>
    %shift_right_arithmetic3A_21 = arith.shrsi %get3A_12, %shift_right_arithmetic3A_20 : vector<16xi32>
    %swap3A_22 = arith.constant 4 : i32
    %swap3A_23 = arith.index_cast %swap3A_22 : i32 to index
    %swap3A_24 = arith.constant 0 : index
    %swap3A_25 = tpu.vector_load %arg10[%swap3A_23, %swap3A_24] {strides = array<i32>} : memref<8x64xi32, #tpu.memory_space<vmem>>, vector<1x16xi32>,
    %swap3A_26 = vector.shape_cast %swap3A_25 : vector<1x16xi32> to vector<16xi32>
    %swap3A_27 = vector.shape_cast %shift_right_arithmetic3A_21 : vector<16xi32> to vector<1x16xi32>
    tpu.vector_store %arg10[%swap3A_23, %swap3A_24], %swap3A_27 {strides = array<i32>} : memref<8x64xi32, #tpu.memory_space<vmem>>, vector<1x16xi32>,
    %get3A_28 = arith.constant 0 : i32
    %get3A_29 = arith.index_cast %get3A_28 : i32 to index
    %get3A_30 = arith.constant 16 : index
    %get3A_31 = tpu.vector_load %arg9[%get3A_29, %get3A_30] {strides = array<i32>} : memref<80x128xi32, #tpu.memory_space<vmem>>, vector<1x16xi32>,
    %get3A_32 = vector.shape_cast %get3A_31 : vector<1x16xi32> to vector<16xi32>
    %and3A_33 = arith.constant 65535 : i32
    %and3A_34 = vector.broadcast %and3A_33 : i32 to vector<16xi32>
    %and3A_35 = arith.andi %get3A_32, %and3A_34 : vector<16xi32>
    %swap3A_36 = arith.constant 0 : i32
    %swap3A_37 = arith.index_cast %swap3A_36 : i32 to index
    %swap3A_38 = arith.constant 16 : index
    %swap3A_39 = tpu.vector_load %arg10[%swap3A_37, %swap3A_38] {strides = array<i32>} : memref<8x64xi32, #tpu.memory_space<vmem>>, vector<1x16xi32>,
    %swap3A_40 = vector.shape_cast %swap3A_39 : vector<1x16xi32> to vector<16xi32>
    %swap3A_41 = vector.shape_cast %and3A_35 : vector<16xi32> to vector<1x16xi32>
    tpu.vector_store %arg10[%swap3A_37, %swap3A_38], %swap3A_41 {strides = array<i32>} : memref<8x64xi32, #tpu.memory_space<vmem>>, vector<1x16xi32>,
    %shift_right_arithmetic3A_42 = arith.constant 16 : i32
    %shift_right_arithmetic3A_43 = vector.broadcast %shift_right_arithmetic3A_42 : i32 to vector<16xi32>
    %shift_right_arithmetic3A_44 = arith.shrsi %get3A_32, %shift_right_arithmetic3A_43 : vector<16xi32>
    %swap3A_45 = arith.constant 4 : i32
    %swap3A_46 = arith.index_cast %swap3A_45 : i32 to index
    %swap3A_47 = arith.constant 16 : index
    %swap3A_48 = tpu.vector_load %arg10[%swap3A_46, %swap3A_47] {strides = array<i32>} : memref<8x64xi32, #tpu.memory_space<vmem>>, vector<1x16xi32>,
    %swap3A_49 = vector.shape_cast %swap3A_48 : vector<1x16xi32> to vector<16xi32>
    %swap3A_50 = vector.shape_cast %shift_right_arithmetic3A_44 : vector<16xi32> to vector<1x16xi32>
    tpu.vector_store %arg10[%swap3A_46, %swap3A_47], %swap3A_50 {strides = array<i32>} : memref<8x64xi32, #tpu.memory_space<vmem>>, vector<1x16xi32>,
    %get3A_51 = arith.constant 0 : i32
    %get3A_52 = arith.index_cast %get3A_51 : i32 to index
    %get3A_53 = arith.constant 32 : index
    %get3A_54 = tpu.vector_load %arg9[%get3A_52, %get3A_53] {strides = array<i32>} : memref<80x128xi32, #tpu.memory_space<vmem>>, vector<1x16xi32>,
    %get3A_55 = vector.shape_cast %get3A_54 : vector<1x16xi32> to vector<16xi32>
    %and3A_56 = arith.constant 65535 : i32
    %and3A_57 = vector.broadcast %and3A_56 : i32 to vector<16xi32>
    %and3A_58 = arith.andi %get3A_55, %and3A_57 : vector<16xi32>
    %swap3A_59 = arith.constant 0 : i32
    %swap3A_60 = arith.index_cast %swap3A_59 : i32 to index
    %swap3A_61 = arith.constant 32 : index
    %swap3A_62 = tpu.vector_load %arg10[%swap3A_60, %swap3A_61] {strides = array<i32>} : memref<8x64xi32, #tpu.memory_space<vmem>>, vector<1x16xi32>,
    %swap3A_63 = vector.shape_cast %swap3A_62 : vector<1x16xi32> to vector<16xi32>
    %swap3A_64 = vector.shape_cast %and3A_58 : vector<16xi32> to vector<1x16xi32>
    tpu.vector_store %arg10[%swap3A_60, %swap3A_61], %swap3A_64 {strides = array<i32>} : memref<8x64xi32, #tpu.memory_space<vmem>>, vector<1x16xi32>,
    %shift_right_arithmetic3A_65 = arith.constant 16 : i32
    %shift_right_arithmetic3A_66 = vector.broadcast %shift_right_arithmetic3A_65 : i32 to vector<16xi32>
    %shift_right_arithmetic3A_67 = arith.shrsi %get3A_55, %shift_right_arithmetic3A_66 : vector<16xi32>
    %swap3A_68 = arith.constant 4 : i32
    %swap3A_69 = arith.index_cast %swap3A_68 : i32 to index
    %swap3A_70 = arith.constant 32 : index
    %swap3A_71 = tpu.vector_load %arg10[%swap3A_69, %swap3A_70] {strides = array<i32>} : memref<8x64xi32, #tpu.memory_space<vmem>>, vector<1x16xi32>,
    %swap3A_72 = vector.shape_cast %swap3A_71 : vector<1x16xi32> to vector<16xi32>
    %swap3A_73 = vector.shape_cast %shift_right_arithmetic3A_67 : vector<16xi32> to vector<1x16xi32>
    tpu.vector_store %arg10[%swap3A_69, %swap3A_70], %swap3A_73 {strides = array<i32>} : memref<8x64xi32, #tpu.memory_space<vmem>>, vector<1x16xi32>,
    %get3A_74 = arith.constant 0 : i32
    %get3A_75 = arith.index_cast %get3A_74 : i32 to index
    %get3A_76 = arith.constant 48 : index
    %get3A_77 = tpu.vector_load %arg9[%get3A_75, %get3A_76] {strides = array<i32>} : memref<80x128xi32, #tpu.memory_space<vmem>>, vector<1x16xi32>,
    %get3A_78 = vector.shape_cast %get3A_77 : vector<1x16xi32> to vector<16xi32>
    %and3A_79 = arith.constant 65535 : i32
    %and3A_80 = vector.broadcast %and3A_79 : i32 to vector<16xi32>
    %and3A_81 = arith.andi %get3A_78, %and3A_80 : vector<16xi32>
    %swap3A_82 = arith.constant 0 : i32
    %swap3A_83 = arith.index_cast %swap3A_82 : i32 to index
    %swap3A_84 = arith.constant 48 : index
    %swap3A_85 = tpu.vector_load %arg10[%swap3A_83, %swap3A_84] {strides = array<i32>} : memref<8x64xi32, #tpu.memory_space<vmem>>, vector<1x16xi32>,
    %swap3A_86 = vector.shape_cast %swap3A_85 : vector<1x16xi32> to vector<16xi32>
    %swap3A_87 = vector.shape_cast %and3A_81 : vector<16xi32> to vector<1x16xi32>
    tpu.vector_store %arg10[%swap3A_83, %swap3A_84], %swap3A_87 {strides = array<i32>} : memref<8x64xi32, #tpu.memory_space<vmem>>, vector<1x16xi32>,
    %shift_right_arithmetic3A_88 = arith.constant 16 : i32
    %shift_right_arithmetic3A_89 = vector.broadcast %shift_right_arithmetic3A_88 : i32 to vector<16xi32>
    %shift_right_arithmetic3A_90 = arith.shrsi %get3A_78, %shift_right_arithmetic3A_89 : vector<16xi32>
    %swap3A_91 = arith.constant 4 : i32
    %swap3A_92 = arith.index_cast %swap3A_91 : i32 to index
    %swap3A_93 = arith.constant 48 : index
    %swap3A_94 = tpu.vector_load %arg10[%swap3A_92, %swap3A_93] {strides = array<i32>} : memref<8x64xi32, #tpu.memory_space<vmem>>, vector<1x16xi32>,
    %swap3A_95 = vector.shape_cast %swap3A_94 : vector<1x16xi32> to vector<16xi32>
    %swap3A_96 = vector.shape_cast %shift_right_arithmetic3A_90 : vector<16xi32> to vector<1x16xi32>
    tpu.vector_store %arg10[%swap3A_92, %swap3A_93], %swap3A_96 {strides = array<i32>} : memref<8x64xi32, #tpu.memory_space<vmem>>, vector<1x16xi32>,
    %dma_start3A = arith.constant 0 : i32
    %dma_start3A_97 = arith.constant 0 : i32
    %dma_start3A_98 = tpu.memref_slice %arg10[%dma_start3A, %dma_start3A_97] : memref<8x64xi32, #tpu.memory_space<vmem>> -> memref<1x64xi32, #tpu.memory_space<vmem>>
    %dma_start3A_99 = tpu.memref_squeeze %dma_start3A_98 : memref<1x64xi32, #tpu.memory_space<vmem>> -> memref<64xi32, #tpu.memory_space<vmem>>
    %dma_start3A_100 = arith.constant 0 : i32
    %dma_start3A_101 = arith.constant 0 : i32
    %dma_start3A_102 = tpu.memref_slice %arg8[%dma_start3A_100, %dma_start3A_101] : memref<10112x128xbf16, #tpu.memory_space<vmem_shared>> -> memref<10112x128xbf16, #tpu.memory_space<vmem_shared>>
    tpu.enqueue_indirect_dma source(%dma_start3A_102 : memref<10112x128xbf16, #tpu.memory_space<vmem_shared>>) target(%arg11 : memref<64x128xbf16, #tpu.memory_space<vmem>>) offsets(%dma_start3A_99 : memref<64xi32, #tpu.memory_space<vmem>>) semaphore(%arg15 : memref<!tpu.dma_semaphore, #tpu.memory_space<semaphore_mem>>)
    %get3A_103 = arith.constant 0 : i32
    %get3A_104 = arith.index_cast %get3A_103 : i32 to index
    %get3A_105 = arith.constant 64 : index
    %get3A_106 = tpu.vector_load %arg9[%get3A_104, %get3A_105] {strides = array<i32>} : memref<80x128xi32, #tpu.memory_space<vmem>>, vector<1x16xi32>,
    %get3A_107 = vector.shape_cast %get3A_106 : vector<1x16xi32> to vector<16xi32>
    %and3A_108 = arith.constant 65535 : i32
    %and3A_109 = vector.broadcast %and3A_108 : i32 to vector<16xi32>
    %and3A_110 = arith.andi %get3A_107, %and3A_109 : vector<16xi32>
    %swap3A_111 = arith.constant 1 : i32
    %swap3A_112 = arith.index_cast %swap3A_111 : i32 to index
    %swap3A_113 = arith.constant 0 : index
    %swap3A_114 = tpu.vector_load %arg10[%swap3A_112, %swap3A_113] {strides = array<i32>} : memref<8x64xi32, #tpu.memory_space<vmem>>, vector<1x16xi32>,
    %swap3A_115 = vector.shape_cast %swap3A_114 : vector<1x16xi32> to vector<16xi32>
    %swap3A_116 = vector.shape_cast %and3A_110 : vector<16xi32> to vector<1x16xi32>
    tpu.vector_store %arg10[%swap3A_112, %swap3A_113], %swap3A_116 {strides = array<i32>} : memref<8x64xi32, #tpu.memory_space<vmem>>, vector<1x16xi32>,
    %shift_right_arithmetic3A_117 = arith.constant 16 : i32
    %shift_right_arithmetic3A_118 = vector.broadcast %shift_right_arithmetic3A_117 : i32 to vector<16xi32>
    %shift_right_arithmetic3A_119 = arith.shrsi %get3A_107, %shift_right_arithmetic3A_118 : vector<16xi32>
    %swap3A_120 = arith.constant 5 : i32
    %swap3A_121 = arith.index_cast %swap3A_120 : i32 to index
    %swap3A_122 = arith.constant 0 : index
    %swap3A_123 = tpu.vector_load %arg10[%swap3A_121, %swap3A_122] {strides = array<i32>} : memref<8x64xi32, #tpu.memory_space<vmem>>, vector<1x16xi32>,
    %swap3A_124 = vector.shape_cast %swap3A_123 : vector<1x16xi32> to vector<16xi32>
    %swap3A_125 = vector.shape_cast %shift_right_arithmetic3A_119 : vector<16xi32> to vector<1x16xi32>
    tpu.vector_store %arg10[%swap3A_121, %swap3A_122], %swap3A_125 {strides = array<i32>} : memref<8x64xi32, #tpu.memory_space<vmem>>, vector<1x16xi32>,
    %get3A_126 = arith.constant 0 : i32
    %get3A_127 = arith.index_cast %get3A_126 : i32 to index
    %get3A_128 = arith.constant 80 : index
    %get3A_129 = tpu.vector_load %arg9[%get3A_127, %get3A_128] {strides = array<i32>} : memref<80x128xi32, #tpu.memory_space<vmem>>, vector<1x16xi32>,
    %get3A_130 = vector.shape_cast %get3A_129 : vector<1x16xi32> to vector<16xi32>
    %and3A_131 = arith.constant 65535 : i32
    %and3A_132 = vector.broadcast %and3A_131 : i32 to vector<16xi32>
    %and3A_133 = arith.andi %get3A_130, %and3A_132 : vector<16xi32>
    %swap3A_134 = arith.constant 1 : i32
    %swap3A_135 = arith.index_cast %swap3A_134 : i32 to index
    %swap3A_136 = arith.constant 16 : index
    %swap3A_137 = tpu.vector_load %arg10[%swap3A_135, %swap3A_136] {strides = array<i32>} : memref<8x64xi32, #tpu.memory_space<vmem>>, vector<1x16xi32>,
    %swap3A_138 = vector.shape_cast %swap3A_137 : vector<1x16xi32> to vector<16xi32>
    %swap3A_139 = vector.shape_cast %and3A_133 : vector<16xi32> to vector<1x16xi32>
    tpu.vector_store %arg10[%swap3A_135, %swap3A_136], %swap3A_139 {strides = array<i32>} : memref<8x64xi32, #tpu.memory_space<vmem>>, vector<1x16xi32>,
    %shift_right_arithmetic3A_140 = arith.constant 16 : i32
    %shift_right_arithmetic3A_141 = vector.broadcast %shift_right_arithmetic3A_140 : i32 to vector<16xi32>
    %shift_right_arithmetic3A_142 = arith.shrsi %get3A_130, %shift_right_arithmetic3A_141 : vector<16xi32>
    %swap3A_143 = arith.constant 5 : i32
    %swap3A_144 = arith.index_cast %swap3A_143 : i32 to index
    %swap3A_145 = arith.constant 16 : index
    %swap3A_146 = tpu.vector_load %arg10[%swap3A_144, %swap3A_145] {strides = array<i32>} : memref<8x64xi32, #tpu.memory_space<vmem>>, vector<1x16xi32>,
    %swap3A_147 = vector.shape_cast %swap3A_146 : vector<1x16xi32> to vector<16xi32>
    %swap3A_148 = vector.shape_cast %shift_right_arithmetic3A_142 : vector<16xi32> to vector<1x16xi32>
    tpu.vector_store %arg10[%swap3A_144, %swap3A_145], %swap3A_148 {strides = array<i32>} : memref<8x64xi32, #tpu.memory_space<vmem>>, vector<1x16xi32>,
    %get3A_149 = arith.constant 0 : i32
    %get3A_150 = arith.index_cast %get3A_149 : i32 to index
    %get3A_151 = arith.constant 96 : index
    %get3A_152 = tpu.vector_load %arg9[%get3A_150, %get3A_151] {strides = array<i32>} : memref<80x128xi32, #tpu.memory_space<vmem>>, vector<1x16xi32>,
    %get3A_153 = vector.shape_cast %get3A_152 : vector<1x16xi32> to vector<16xi32>
    %and3A_154 = arith.constant 65535 : i32
    %and3A_155 = vector.broadcast %and3A_154 : i32 to vector<16xi32>
    %and3A_156 = arith.andi %get3A_153, %and3A_155 : vector<16xi32>
    %swap3A_157 = arith.constant 1 : i32
    %swap3A_158 = arith.index_cast %swap3A_157 : i32 to index
    %swap3A_159 = arith.constant 32 : index
    %swap3A_160 = tpu.vector_load %arg10[%swap3A_158, %swap3A_159] {strides = array<i32>} : memref<8x64xi32, #tpu.memory_space<vmem>>, vector<1x16xi32>,
    %swap3A_161 = vector.shape_cast %swap3A_160 : vector<1x16xi32> to vector<16xi32>
    %swap3A_162 = vector.shape_cast %and3A_156 : vector<16xi32> to vector<1x16xi32>
    tpu.vector_store %arg10[%swap3A_158, %swap3A_159], %swap3A_162 {strides = array<i32>} : memref<8x64xi32, #tpu.memory_space<vmem>>, vector<1x16xi32>,
    %shift_right_arithmetic3A_163 = arith.constant 16 : i32
    %shift_right_arithmetic3A_164 = vector.broadcast %shift_right_arithmetic3A_163 : i32 to vector<16xi32>
    %shift_right_arithmetic3A_165 = arith.shrsi %get3A_153, %shift_right_arithmetic3A_164 : vector<16xi32>
    %swap3A_166 = arith.constant 5 : i32
    %swap3A_167 = arith.index_cast %swap3A_166 : i32 to index
    %swap3A_168 = arith.constant 32 : index
    %swap3A_169 = tpu.vector_load %arg10[%swap3A_167, %swap3A_168] {strides = array<i32>} : memref<8x64xi32, #tpu.memory_space<vmem>>, vector<1x16xi32>,
    %swap3A_170 = vector.shape_cast %swap3A_169 : vector<1x16xi32> to vector<16xi32>
    %swap3A_171 = vector.shape_cast %shift_right_arithmetic3A_165 : vector<16xi32> to vector<1x16xi32>
    tpu.vector_store %arg10[%swap3A_167, %swap3A_168], %swap3A_171 {strides = array<i32>} : memref<8x64xi32, #tpu.memory_space<vmem>>, vector<1x16xi32>,
    %get3A_172 = arith.constant 0 : i32
    %get3A_173 = arith.index_cast %get3A_172 : i32 to index
    %get3A_174 = arith.constant 112 : index
    %get3A_175 = tpu.vector_load %arg9[%get3A_173, %get3A_174] {strides = array<i32>} : memref<80x128xi32, #tpu.memory_space<vmem>>, vector<1x16xi32>,
    %get3A_176 = vector.shape_cast %get3A_175 : vector<1x16xi32> to vector<16xi32>
    %and3A_177 = arith.constant 65535 : i32
    %and3A_178 = vector.broadcast %and3A_177 : i32 to vector<16xi32>
    %and3A_179 = arith.andi %get3A_176, %and3A_178 : vector<16xi32>
    %swap3A_180 = arith.constant 1 : i32
    %swap3A_181 = arith.index_cast %swap3A_180 : i32 to index
    %swap3A_182 = arith.constant 48 : index
    %swap3A_183 = tpu.vector_load %arg10[%swap3A_181, %swap3A_182] {strides = array<i32>} : memref<8x64xi32, #tpu.memory_space<vmem>>, vector<1x16xi32>,
    %swap3A_184 = vector.shape_cast %swap3A_183 : vector<1x16xi32> to vector<16xi32>
    %swap3A_185 = vector.shape_cast %and3A_179 : vector<16xi32> to vector<1x16xi32>
    tpu.vector_store %arg10[%swap3A_181, %swap3A_182], %swap3A_185 {strides = array<i32>} : memref<8x64xi32, #tpu.memory_space<vmem>>, vector<1x16xi32>,
    %shift_right_arithmetic3A_186 = arith.constant 16 : i32
    %shift_right_arithmetic3A_187 = vector.broadcast %shift_right_arithmetic3A_186 : i32 to vector<16xi32>
    %shift_right_arithmetic3A_188 = arith.shrsi %get3A_176, %shift_right_arithmetic3A_187 : vector<16xi32>
    %swap3A_189 = arith.constant 5 : i32
    %swap3A_190 = arith.index_cast %swap3A_189 : i32 to index
    %swap3A_191 = arith.constant 48 : index
    %swap3A_192 = tpu.vector_load %arg10[%swap3A_190, %swap3A_191] {strides = array<i32>} : memref<8x64xi32, #tpu.memory_space<vmem>>, vector<1x16xi32>,
    %swap3A_193 = vector.shape_cast %swap3A_192 : vector<1x16xi32> to vector<16xi32>
    %swap3A_194 = vector.shape_cast %shift_right_arithmetic3A_188 : vector<16xi32> to vector<1x16xi32>
    tpu.vector_store %arg10[%swap3A_190, %swap3A_191], %swap3A_194 {strides = array<i32>} : memref<8x64xi32, #tpu.memory_space<vmem>>, vector<1x16xi32>,
    %dma_start3A_195 = arith.constant 1 : i32
    %dma_start3A_196 = arith.constant 0 : i32
    %dma_start3A_197 = tpu.memref_slice %arg10[%dma_start3A_195, %dma_start3A_196] : memref<8x64xi32, #tpu.memory_space<vmem>> -> memref<1x64xi32, #tpu.memory_space<vmem>>
    %dma_start3A_198 = tpu.memref_squeeze %dma_start3A_197 : memref<1x64xi32, #tpu.memory_space<vmem>> -> memref<64xi32, #tpu.memory_space<vmem>>
    %dma_start3A_199 = arith.constant 0 : i32
    %dma_start3A_200 = arith.constant 0 : i32
    %dma_start3A_201 = tpu.memref_slice %arg8[%dma_start3A_199, %dma_start3A_200] : memref<10112x128xbf16, #tpu.memory_space<vmem_shared>> -> memref<10112x128xbf16, #tpu.memory_space<vmem_shared>>
    tpu.enqueue_indirect_dma source(%dma_start3A_201 : memref<10112x128xbf16, #tpu.memory_space<vmem_shared>>) target(%arg12 : memref<64x128xbf16, #tpu.memory_space<vmem>>) offsets(%dma_start3A_198 : memref<64xi32, #tpu.memory_space<vmem>>) semaphore(%arg16 : memref<!tpu.dma_semaphore, #tpu.memory_space<semaphore_mem>>)
    %get3A_202 = arith.constant 1 : i32
    %get3A_203 = arith.index_cast %get3A_202 : i32 to index
    %get3A_204 = arith.constant 0 : index
    %get3A_205 = tpu.vector_load %arg9[%get3A_203, %get3A_204] {strides = array<i32>} : memref<80x128xi32, #tpu.memory_space<vmem>>, vector<1x16xi32>,
    %get3A_206 = vector.shape_cast %get3A_205 : vector<1x16xi32> to vector<16xi32>
    %and3A_207 = arith.constant 65535 : i32
    %and3A_208 = vector.broadcast %and3A_207 : i32 to vector<16xi32>
    %and3A_209 = arith.andi %get3A_206, %and3A_208 : vector<16xi32>
    %swap3A_210 = arith.constant 2 : i32
    %swap3A_211 = arith.index_cast %swap3A_210 : i32 to index
    %swap3A_212 = arith.constant 0 : index
    %swap3A_213 = tpu.vector_load %arg10[%swap3A_211, %swap3A_212] {strides = array<i32>} : memref<8x64xi32, #tpu.memory_space<vmem>>, vector<1x16xi32>,
    %swap3A_214 = vector.shape_cast %swap3A_213 : vector<1x16xi32> to vector<16xi32>
    %swap3A_215 = vector.shape_cast %and3A_209 : vector<16xi32> to vector<1x16xi32>
    tpu.vector_store %arg10[%swap3A_211, %swap3A_212], %swap3A_215 {strides = array<i32>} : memref<8x64xi32, #tpu.memory_space<vmem>>, vector<1x16xi32>,
    %shift_right_arithmetic3A_216 = arith.constant 16 : i32
    %shift_right_arithmetic3A_217 = vector.broadcast %shift_right_arithmetic3A_216 : i32 to vector<16xi32>
    %shift_right_arithmetic3A_218 = arith.shrsi %get3A_206, %shift_right_arithmetic3A_217 : vector<16xi32>
    %swap3A_219 = arith.constant 6 : i32
    %swap3A_220 = arith.index_cast %swap3A_219 : i32 to index
    %swap3A_221 = arith.constant 0 : index
    %swap3A_222 = tpu.vector_load %arg10[%swap3A_220, %swap3A_221] {strides = array<i32>} : memref<8x64xi32, #tpu.memory_space<vmem>>, vector<1x16xi32>,
    %swap3A_223 = vector.shape_cast %swap3A_222 : vector<1x16xi32> to vector<16xi32>
    %swap3A_224 = vector.shape_cast %shift_right_arithmetic3A_218 : vector<16xi32> to vector<1x16xi32>
    tpu.vector_store %arg10[%swap3A_220, %swap3A_221], %swap3A_224 {strides = array<i32>} : memref<8x64xi32, #tpu.memory_space<vmem>>, vector<1x16xi32>,
    %get3A_225 = arith.constant 1 : i32
    %get3A_226 = arith.index_cast %get3A_225 : i32 to index
    %get3A_227 = arith.constant 16 : index
    %get3A_228 = tpu.vector_load %arg9[%get3A_226, %get3A_227] {strides = array<i32>} : memref<80x128xi32, #tpu.memory_space<vmem>>, vector<1x16xi32>,
    %get3A_229 = vector.shape_cast %get3A_228 : vector<1x16xi32> to vector<16xi32>
    %and3A_230 = arith.constant 65535 : i32
    %and3A_231 = vector.broadcast %and3A_230 : i32 to vector<16xi32>
    %and3A_232 = arith.andi %get3A_229, %and3A_231 : vector<16xi32>
    %swap3A_233 = arith.constant 2 : i32
    %swap3A_234 = arith.index_cast %swap3A_233 : i32 to index
    %swap3A_235 = arith.constant 16 : index
    %swap3A_236 = tpu.vector_load %arg10[%swap3A_234, %swap3A_235] {strides = array<i32>} : memref<8x64xi32, #tpu.memory_space<vmem>>, vector<1x16xi32>,
    %swap3A_237 = vector.shape_cast %swap3A_236 : vector<1x16xi32> to vector<16xi32>
    %swap3A_238 = vector.shape_cast %and3A_232 : vector<16xi32> to vector<1x16xi32>
    tpu.vector_store %arg10[%swap3A_234, %swap3A_235], %swap3A_238 {strides = array<i32>} : memref<8x64xi32, #tpu.memory_space<vmem>>, vector<1x16xi32>,
    %shift_right_arithmetic3A_239 = arith.constant 16 : i32
    %shift_right_arithmetic3A_240 = vector.broadcast %shift_right_arithmetic3A_239 : i32 to vector<16xi32>
    %shift_right_arithmetic3A_241 = arith.shrsi %get3A_229, %shift_right_arithmetic3A_240 : vector<16xi32>
    %swap3A_242 = arith.constant 6 : i32
    %swap3A_243 = arith.index_cast %swap3A_242 : i32 to index
    %swap3A_244 = arith.constant 16 : index
    %swap3A_245 = tpu.vector_load %arg10[%swap3A_243, %swap3A_244] {strides = array<i32>} : memref<8x64xi32, #tpu.memory_space<vmem>>, vector<1x16xi32>,
    %swap3A_246 = vector.shape_cast %swap3A_245 : vector<1x16xi32> to vector<16xi32>
    %swap3A_247 = vector.shape_cast %shift_right_arithmetic3A_241 : vector<16xi32> to vector<1x16xi32>
    tpu.vector_store %arg10[%swap3A_243, %swap3A_244], %swap3A_247 {strides = array<i32>} : memref<8x64xi32, #tpu.memory_space<vmem>>, vector<1x16xi32>,
    %get3A_248 = arith.constant 1 : i32
    %get3A_249 = arith.index_cast %get3A_248 : i32 to index
    %get3A_250 = arith.constant 32 : index
    %get3A_251 = tpu.vector_load %arg9[%get3A_249, %get3A_250] {strides = array<i32>} : memref<80x128xi32, #tpu.memory_space<vmem>>, vector<1x16xi32>,
    %get3A_252 = vector.shape_cast %get3A_251 : vector<1x16xi32> to vector<16xi32>
    %and3A_253 = arith.constant 65535 : i32
    %and3A_254 = vector.broadcast %and3A_253 : i32 to vector<16xi32>
    %and3A_255 = arith.andi %get3A_252, %and3A_254 : vector<16xi32>
    %swap3A_256 = arith.constant 2 : i32
    %swap3A_257 = arith.index_cast %swap3A_256 : i32 to index
    %swap3A_258 = arith.constant 32 : index
    %swap3A_259 = tpu.vector_load %arg10[%swap3A_257, %swap3A_258] {strides = array<i32>} : memref<8x64xi32, #tpu.memory_space<vmem>>, vector<1x16xi32>,
    %swap3A_260 = vector.shape_cast %swap3A_259 : vector<1x16xi32> to vector<16xi32>
    %swap3A_261 = vector.shape_cast %and3A_255 : vector<16xi32> to vector<1x16xi32>
    tpu.vector_store %arg10[%swap3A_257, %swap3A_258], %swap3A_261 {strides = array<i32>} : memref<8x64xi32, #tpu.memory_space<vmem>>, vector<1x16xi32>,
    %shift_right_arithmetic3A_262 = arith.constant 16 : i32
    %shift_right_arithmetic3A_263 = vector.broadcast %shift_right_arithmetic3A_262 : i32 to vector<16xi32>
    %shift_right_arithmetic3A_264 = arith.shrsi %get3A_252, %shift_right_arithmetic3A_263 : vector<16xi32>
    %swap3A_265 = arith.constant 6 : i32
    %swap3A_266 = arith.index_cast %swap3A_265 : i32 to index
    %swap3A_267 = arith.constant 32 : index
    %swap3A_268 = tpu.vector_load %arg10[%swap3A_266, %swap3A_267] {strides = array<i32>} : memref<8x64xi32, #tpu.memory_space<vmem>>, vector<1x16xi32>,
    %swap3A_269 = vector.shape_cast %swap3A_268 : vector<1x16xi32> to vector<16xi32>
    %swap3A_270 = vector.shape_cast %shift_right_arithmetic3A_264 : vector<16xi32> to vector<1x16xi32>
    tpu.vector_store %arg10[%swap3A_266, %swap3A_267], %swap3A_270 {strides = array<i32>} : memref<8x64xi32, #tpu.memory_space<vmem>>, vector<1x16xi32>,
    %get3A_271 = arith.constant 1 : i32
    %get3A_272 = arith.index_cast %get3A_271 : i32 to index
    %get3A_273 = arith.constant 48 : index
    %get3A_274 = tpu.vector_load %arg9[%get3A_272, %get3A_273] {strides = array<i32>} : memref<80x128xi32, #tpu.memory_space<vmem>>, vector<1x16xi32>,
    %get3A_275 = vector.shape_cast %get3A_274 : vector<1x16xi32> to vector<16xi32>
    %and3A_276 = arith.constant 65535 : i32
    %and3A_277 = vector.broadcast %and3A_276 : i32 to vector<16xi32>
    %and3A_278 = arith.andi %get3A_275, %and3A_277 : vector<16xi32>
    %swap3A_279 = arith.constant 2 : i32
    %swap3A_280 = arith.index_cast %swap3A_279 : i32 to index
    %swap3A_281 = arith.constant 48 : index
    %swap3A_282 = tpu.vector_load %arg10[%swap3A_280, %swap3A_281] {strides = array<i32>} : memref<8x64xi32, #tpu.memory_space<vmem>>, vector<1x16xi32>,
    %swap3A_283 = vector.shape_cast %swap3A_282 : vector<1x16xi32> to vector<16xi32>
    %swap3A_284 = vector.shape_cast %and3A_278 : vector<16xi32> to vector<1x16xi32>
    tpu.vector_store %arg10[%swap3A_280, %swap3A_281], %swap3A_284 {strides = array<i32>} : memref<8x64xi32, #tpu.memory_space<vmem>>, vector<1x16xi32>,
    %shift_right_arithmetic3A_285 = arith.constant 16 : i32
    %shift_right_arithmetic3A_286 = vector.broadcast %shift_right_arithmetic3A_285 : i32 to vector<16xi32>
    %shift_right_arithmetic3A_287 = arith.shrsi %get3A_275, %shift_right_arithmetic3A_286 : vector<16xi32>
    %swap3A_288 = arith.constant 6 : i32
    %swap3A_289 = arith.index_cast %swap3A_288 : i32 to index
    %swap3A_290 = arith.constant 48 : index
    %swap3A_291 = tpu.vector_load %arg10[%swap3A_289, %swap3A_290] {strides = array<i32>} : memref<8x64xi32, #tpu.memory_space<vmem>>, vector<1x16xi32>,
    %swap3A_292 = vector.shape_cast %swap3A_291 : vector<1x16xi32> to vector<16xi32>
    %swap3A_293 = vector.shape_cast %shift_right_arithmetic3A_287 : vector<16xi32> to vector<1x16xi32>
    tpu.vector_store %arg10[%swap3A_289, %swap3A_290], %swap3A_293 {strides = array<i32>} : memref<8x64xi32, #tpu.memory_space<vmem>>, vector<1x16xi32>,
    %dma_start3A_294 = arith.constant 2 : i32
    %dma_start3A_295 = arith.constant 0 : i32
    %dma_start3A_296 = tpu.memref_slice %arg10[%dma_start3A_294, %dma_start3A_295] : memref<8x64xi32, #tpu.memory_space<vmem>> -> memref<1x64xi32, #tpu.memory_space<vmem>>
    %dma_start3A_297 = tpu.memref_squeeze %dma_start3A_296 : memref<1x64xi32, #tpu.memory_space<vmem>> -> memref<64xi32, #tpu.memory_space<vmem>>
    %dma_start3A_298 = arith.constant 0 : i32
    %dma_start3A_299 = arith.constant 0 : i32
    %dma_start3A_300 = tpu.memref_slice %arg8[%dma_start3A_298, %dma_start3A_299] : memref<10112x128xbf16, #tpu.memory_space<vmem_shared>> -> memref<10112x128xbf16, #tpu.memory_space<vmem_shared>>
    tpu.enqueue_indirect_dma source(%dma_start3A_300 : memref<10112x128xbf16, #tpu.memory_space<vmem_shared>>) target(%arg13 : memref<64x128xbf16, #tpu.memory_space<vmem>>) offsets(%dma_start3A_297 : memref<64xi32, #tpu.memory_space<vmem>>) semaphore(%arg17 : memref<!tpu.dma_semaphore, #tpu.memory_space<semaphore_mem>>)
    %get3A_301 = arith.constant 1 : i32
    %get3A_302 = arith.index_cast %get3A_301 : i32 to index
    %get3A_303 = arith.constant 64 : index
    %get3A_304 = tpu.vector_load %arg9[%get3A_302, %get3A_303] {strides = array<i32>} : memref<80x128xi32, #tpu.memory_space<vmem>>, vector<1x16xi32>,
    %get3A_305 = vector.shape_cast %get3A_304 : vector<1x16xi32> to vector<16xi32>
    %and3A_306 = arith.constant 65535 : i32
    %and3A_307 = vector.broadcast %and3A_306 : i32 to vector<16xi32>
    %and3A_308 = arith.andi %get3A_305, %and3A_307 : vector<16xi32>
    %swap3A_309 = arith.constant 3 : i32
    %swap3A_310 = arith.index_cast %swap3A_309 : i32 to index
    %swap3A_311 = arith.constant 0 : index
    %swap3A_312 = tpu.vector_load %arg10[%swap3A_310, %swap3A_311] {strides = array<i32>} : memref<8x64xi32, #tpu.memory_space<vmem>>, vector<1x16xi32>,
    %swap3A_313 = vector.shape_cast %swap3A_312 : vector<1x16xi32> to vector<16xi32>
    %swap3A_314 = vector.shape_cast %and3A_308 : vector<16xi32> to vector<1x16xi32>
    tpu.vector_store %arg10[%swap3A_310, %swap3A_311], %swap3A_314 {strides = array<i32>} : memref<8x64xi32, #tpu.memory_space<vmem>>, vector<1x16xi32>,
    %shift_right_arithmetic3A_315 = arith.constant 16 : i32
    %shift_right_arithmetic3A_316 = vector.broadcast %shift_right_arithmetic3A_315 : i32 to vector<16xi32>
    %shift_right_arithmetic3A_317 = arith.shrsi %get3A_305, %shift_right_arithmetic3A_316 : vector<16xi32>
    %swap3A_318 = arith.constant 7 : i32
    %swap3A_319 = arith.index_cast %swap3A_318 : i32 to index
    %swap3A_320 = arith.constant 0 : index
    %swap3A_321 = tpu.vector_load %arg10[%swap3A_319, %swap3A_320] {strides = array<i32>} : memref<8x64xi32, #tpu.memory_space<vmem>>, vector<1x16xi32>,
    %swap3A_322 = vector.shape_cast %swap3A_321 : vector<1x16xi32> to vector<16xi32>
    %swap3A_323 = vector.shape_cast %shift_right_arithmetic3A_317 : vector<16xi32> to vector<1x16xi32>
    tpu.vector_store %arg10[%swap3A_319, %swap3A_320], %swap3A_323 {strides = array<i32>} : memref<8x64xi32, #tpu.memory_space<vmem>>, vector<1x16xi32>,
    %get3A_324 = arith.constant 1 : i32
    %get3A_325 = arith.index_cast %get3A_324 : i32 to index
    %get3A_326 = arith.constant 80 : index
    %get3A_327 = tpu.vector_load %arg9[%get3A_325, %get3A_326] {strides = array<i32>} : memref<80x128xi32, #tpu.memory_space<vmem>>, vector<1x16xi32>,
    %get3A_328 = vector.shape_cast %get3A_327 : vector<1x16xi32> to vector<16xi32>
    %and3A_329 = arith.constant 65535 : i32
    %and3A_330 = vector.broadcast %and3A_329 : i32 to vector<16xi32>
    %and3A_331 = arith.andi %get3A_328, %and3A_330 : vector<16xi32>
    %swap3A_332 = arith.constant 3 : i32
    %swap3A_333 = arith.index_cast %swap3A_332 : i32 to index
    %swap3A_334 = arith.constant 16 : index
    %swap3A_335 = tpu.vector_load %arg10[%swap3A_333, %swap3A_334] {strides = array<i32>} : memref<8x64xi32, #tpu.memory_space<vmem>>, vector<1x16xi32>,
    %swap3A_336 = vector.shape_cast %swap3A_335 : vector<1x16xi32> to vector<16xi32>
    %swap3A_337 = vector.shape_cast %and3A_331 : vector<16xi32> to vector<1x16xi32>
    tpu.vector_store %arg10[%swap3A_333, %swap3A_334], %swap3A_337 {strides = array<i32>} : memref<8x64xi32, #tpu.memory_space<vmem>>, vector<1x16xi32>,
    %shift_right_arithmetic3A_338 = arith.constant 16 : i32
    %shift_right_arithmetic3A_339 = vector.broadcast %shift_right_arithmetic3A_338 : i32 to vector<16xi32>
    %shift_right_arithmetic3A_340 = arith.shrsi %get3A_328, %shift_right_arithmetic3A_339 : vector<16xi32>
    %swap3A_341 = arith.constant 7 : i32
    %swap3A_342 = arith.index_cast %swap3A_341 : i32 to index
    %swap3A_343 = arith.constant 16 : index
    %swap3A_344 = tpu.vector_load %arg10[%swap3A_342, %swap3A_343] {strides = array<i32>} : memref<8x64xi32, #tpu.memory_space<vmem>>, vector<1x16xi32>,
    %swap3A_345 = vector.shape_cast %swap3A_344 : vector<1x16xi32> to vector<16xi32>
    %swap3A_346 = vector.shape_cast %shift_right_arithmetic3A_340 : vector<16xi32> to vector<1x16xi32>
    tpu.vector_store %arg10[%swap3A_342, %swap3A_343], %swap3A_346 {strides = array<i32>} : memref<8x64xi32, #tpu.memory_space<vmem>>, vector<1x16xi32>,
    %get3A_347 = arith.constant 1 : i32
    %get3A_348 = arith.index_cast %get3A_347 : i32 to index
    %get3A_349 = arith.constant 96 : index
    %get3A_350 = tpu.vector_load %arg9[%get3A_348, %get3A_349] {strides = array<i32>} : memref<80x128xi32, #tpu.memory_space<vmem>>, vector<1x16xi32>,
    %get3A_351 = vector.shape_cast %get3A_350 : vector<1x16xi32> to vector<16xi32>
    %and3A_352 = arith.constant 65535 : i32
    %and3A_353 = vector.broadcast %and3A_352 : i32 to vector<16xi32>
    %and3A_354 = arith.andi %get3A_351, %and3A_353 : vector<16xi32>
    %swap3A_355 = arith.constant 3 : i32
    %swap3A_356 = arith.index_cast %swap3A_355 : i32 to index
    %swap3A_357 = arith.constant 32 : index
    %swap3A_358 = tpu.vector_load %arg10[%swap3A_356, %swap3A_357] {strides = array<i32>} : memref<8x64xi32, #tpu.memory_space<vmem>>, vector<1x16xi32>,
    %swap3A_359 = vector.shape_cast %swap3A_358 : vector<1x16xi32> to vector<16xi32>
    %swap3A_360 = vector.shape_cast %and3A_354 : vector<16xi32> to vector<1x16xi32>
    tpu.vector_store %arg10[%swap3A_356, %swap3A_357], %swap3A_360 {strides = array<i32>} : memref<8x64xi32, #tpu.memory_space<vmem>>, vector<1x16xi32>,
    %shift_right_arithmetic3A_361 = arith.constant 16 : i32
    %shift_right_arithmetic3A_362 = vector.broadcast %shift_right_arithmetic3A_361 : i32 to vector<16xi32>
    %shift_right_arithmetic3A_363 = arith.shrsi %get3A_351, %shift_right_arithmetic3A_362 : vector<16xi32>
    %swap3A_364 = arith.constant 7 : i32
    %swap3A_365 = arith.index_cast %swap3A_364 : i32 to index
    %swap3A_366 = arith.constant 32 : index
    %swap3A_367 = tpu.vector_load %arg10[%swap3A_365, %swap3A_366] {strides = array<i32>} : memref<8x64xi32, #tpu.memory_space<vmem>>, vector<1x16xi32>,
    %swap3A_368 = vector.shape_cast %swap3A_367 : vector<1x16xi32> to vector<16xi32>
    %swap3A_369 = vector.shape_cast %shift_right_arithmetic3A_363 : vector<16xi32> to vector<1x16xi32>
    tpu.vector_store %arg10[%swap3A_365, %swap3A_366], %swap3A_369 {strides = array<i32>} : memref<8x64xi32, #tpu.memory_space<vmem>>, vector<1x16xi32>,
    %get3A_370 = arith.constant 1 : i32
    %get3A_371 = arith.index_cast %get3A_370 : i32 to index
    %get3A_372 = arith.constant 112 : index
    %get3A_373 = tpu.vector_load %arg9[%get3A_371, %get3A_372] {strides = array<i32>} : memref<80x128xi32, #tpu.memory_space<vmem>>, vector<1x16xi32>,
    %get3A_374 = vector.shape_cast %get3A_373 : vector<1x16xi32> to vector<16xi32>
    %and3A_375 = arith.constant 65535 : i32
    %and3A_376 = vector.broadcast %and3A_375 : i32 to vector<16xi32>
    %and3A_377 = arith.andi %get3A_374, %and3A_376 : vector<16xi32>
    %swap3A_378 = arith.constant 3 : i32
    %swap3A_379 = arith.index_cast %swap3A_378 : i32 to index
    %swap3A_380 = arith.constant 48 : index
    %swap3A_381 = tpu.vector_load %arg10[%swap3A_379, %swap3A_380] {strides = array<i32>} : memref<8x64xi32, #tpu.memory_space<vmem>>, vector<1x16xi32>,
    %swap3A_382 = vector.shape_cast %swap3A_381 : vector<1x16xi32> to vector<16xi32>
    %swap3A_383 = vector.shape_cast %and3A_377 : vector<16xi32> to vector<1x16xi32>
    tpu.vector_store %arg10[%swap3A_379, %swap3A_380], %swap3A_383 {strides = array<i32>} : memref<8x64xi32, #tpu.memory_space<vmem>>, vector<1x16xi32>,
    %shift_right_arithmetic3A_384 = arith.constant 16 : i32
    %shift_right_arithmetic3A_385 = vector.broadcast %shift_right_arithmetic3A_384 : i32 to vector<16xi32>
    %shift_right_arithmetic3A_386 = arith.shrsi %get3A_374, %shift_right_arithmetic3A_385 : vector<16xi32>
    %swap3A_387 = arith.constant 7 : i32
    %swap3A_388 = arith.index_cast %swap3A_387 : i32 to index
    %swap3A_389 = arith.constant 48 : index
    %swap3A_390 = tpu.vector_load %arg10[%swap3A_388, %swap3A_389] {strides = array<i32>} : memref<8x64xi32, #tpu.memory_space<vmem>>, vector<1x16xi32>,
    %swap3A_391 = vector.shape_cast %swap3A_390 : vector<1x16xi32> to vector<16xi32>
    %swap3A_392 = vector.shape_cast %shift_right_arithmetic3A_386 : vector<16xi32> to vector<1x16xi32>
    tpu.vector_store %arg10[%swap3A_388, %swap3A_389], %swap3A_392 {strides = array<i32>} : memref<8x64xi32, #tpu.memory_space<vmem>>, vector<1x16xi32>,
    %dma_start3A_393 = arith.constant 3 : i32
    %dma_start3A_394 = arith.constant 0 : i32
    %dma_start3A_395 = tpu.memref_slice %arg10[%dma_start3A_393, %dma_start3A_394] : memref<8x64xi32, #tpu.memory_space<vmem>> -> memref<1x64xi32, #tpu.memory_space<vmem>>
    %dma_start3A_396 = tpu.memref_squeeze %dma_start3A_395 : memref<1x64xi32, #tpu.memory_space<vmem>> -> memref<64xi32, #tpu.memory_space<vmem>>
    %dma_start3A_397 = arith.constant 0 : i32
    %dma_start3A_398 = arith.constant 0 : i32
    %dma_start3A_399 = tpu.memref_slice %arg8[%dma_start3A_397, %dma_start3A_398] : memref<10112x128xbf16, #tpu.memory_space<vmem_shared>> -> memref<10112x128xbf16, #tpu.memory_space<vmem_shared>>
    tpu.enqueue_indirect_dma source(%dma_start3A_399 : memref<10112x128xbf16, #tpu.memory_space<vmem_shared>>) target(%arg14 : memref<64x128xbf16, #tpu.memory_space<vmem>>) offsets(%dma_start3A_396 : memref<64xi32, #tpu.memory_space<vmem>>) semaphore(%arg18 : memref<!tpu.dma_semaphore, #tpu.memory_space<semaphore_mem>>)
    %scan3A = arith.constant 0 : i32
    %scan3A_400 = arith.constant 0 : i32
    %scan3A_401 = arith.constant 40 : i32
    %scan3A_402 = arith.addi %scan3A_400, %scan3A_401 : i32
    %scan3A_403 = arith.constant 1 : i32
    scf.for %scan3A_416 = %scan3A_400 to %scan3A_402 step %scan3A_403  : i32 {
      %mul3A_417 = arith.constant 4 : i32
      %mul3A_418 = arith.muli %mul3A_417, %scan3A_416 : i32
      %add3A_419 = arith.constant 0 : i32
      %add3A_420 = arith.addi %mul3A_418, %add3A_419 : i32
      %dma_wait3A = arith.constant 0 : i32
      %dma_wait3A_421 = arith.constant 0 : i32
      %dma_wait3A_422 = tpu.memref_slice %arg10[%dma_wait3A, %dma_wait3A_421] : memref<8x64xi32, #tpu.memory_space<vmem>> -> memref<1x64xi32, #tpu.memory_space<vmem>>
      %dma_wait3A_423 = tpu.memref_squeeze %dma_wait3A_422 : memref<1x64xi32, #tpu.memory_space<vmem>> -> memref<64xi32, #tpu.memory_space<vmem>>
      %dma_wait3A_424 = arith.constant 0 : i32
      %dma_wait3A_425 = arith.constant 0 : i32
      %dma_wait3A_426 = tpu.memref_slice %arg8[%dma_wait3A_424, %dma_wait3A_425] : memref<10112x128xbf16, #tpu.memory_space<vmem_shared>> -> memref<10112x128xbf16, #tpu.memory_space<vmem_shared>>
      tpu.wait_indirect_dma semaphore(%arg15 : memref<!tpu.dma_semaphore, #tpu.memory_space<semaphore_mem>>) src(%dma_wait3A_426 : memref<10112x128xbf16, #tpu.memory_space<vmem_shared>>) dst(%arg11 : memref<64x128xbf16, #tpu.memory_space<vmem>>)
      %run_scoped3A = arith.constant 4 : i32
      "tpu.region"() ({
        %run_scoped3A_485 = tpu.sem_alloc : memref<!tpu.dma_semaphore, #tpu.memory_space<semaphore_mem>>
        %dma_start3A_486 = arith.constant 0 : i32
        %dma_start3A_487 = tpu.memref_slice %arg10[%run_scoped3A, %dma_start3A_486] : memref<8x64xi32, #tpu.memory_space<vmem>> -> memref<1x64xi32, #tpu.memory_space<vmem>>
        %dma_start3A_488 = tpu.memref_squeeze %dma_start3A_487 : memref<1x64xi32, #tpu.memory_space<vmem>> -> memref<64xi32, #tpu.memory_space<vmem>>
        %dma_start3A_489 = arith.constant 0 : i32
        %dma_start3A_490 = arith.constant 0 : i32
        %dma_start3A_491 = tpu.memref_slice %arg7[%dma_start3A_489, %dma_start3A_490] : memref<10112x128xbf16, #tpu.memory_space<vmem_shared>> -> memref<10112x128xbf16, #tpu.memory_space<vmem_shared>>
        tpu.enqueue_indirect_dma source(%arg11 : memref<64x128xbf16, #tpu.memory_space<vmem>>) target(%dma_start3A_491 : memref<10112x128xbf16, #tpu.memory_space<vmem_shared>>) offsets(%dma_start3A_488 : memref<64xi32, #tpu.memory_space<vmem>>) semaphore(%run_scoped3A_485 : memref<!tpu.dma_semaphore, #tpu.memory_space<semaphore_mem>>) {add = true}
        %dma_wait3A_492 = arith.constant 0 : i32
        %dma_wait3A_493 = tpu.memref_slice %arg10[%run_scoped3A, %dma_wait3A_492] : memref<8x64xi32, #tpu.memory_space<vmem>> -> memref<1x64xi32, #tpu.memory_space<vmem>>
        %dma_wait3A_494 = tpu.memref_squeeze %dma_wait3A_493 : memref<1x64xi32, #tpu.memory_space<vmem>> -> memref<64xi32, #tpu.memory_space<vmem>>
        %dma_wait3A_495 = arith.constant 0 : i32
        %dma_wait3A_496 = arith.constant 0 : i32
        %dma_wait3A_497 = tpu.memref_slice %arg7[%dma_wait3A_495, %dma_wait3A_496] : memref<10112x128xbf16, #tpu.memory_space<vmem_shared>> -> memref<10112x128xbf16, #tpu.memory_space<vmem_shared>>
        tpu.wait_indirect_dma semaphore(%run_scoped3A_485 : memref<!tpu.dma_semaphore, #tpu.memory_space<semaphore_mem>>) src(%arg11 : memref<64x128xbf16, #tpu.memory_space<vmem>>) dst(%dma_wait3A_497 : memref<10112x128xbf16, #tpu.memory_space<vmem_shared>>)
        tpu.yield
      }) : () -> ()
      %add3A_427 = arith.constant 4 : i32
      %add3A_428 = arith.addi %add3A_420, %add3A_427 : i32
      %lt3A_429 = arith.constant 160 : i32
      %lt3A_430 = arith.cmpi slt, %add3A_428, %lt3A_429 : i32
      %convert_element_type3A_431 = arith.extui %lt3A_430 : i1 to i32
      %cond3A_432 = arith.constant 0 : i32
      %cond3A_433 = arith.cmpi ne, %convert_element_type3A_431, %cond3A_432 : i32
      scf.if %cond3A_433 {
        %add3A_485 = arith.constant 4 : i32
        %add3A_486 = arith.addi %add3A_420, %add3A_485 : i32
        %jit3A = arith.constant 2 : i32
        %div3A = arith.divsi %add3A_486, %jit3A : i32
        %sign3A = arith.constant 0 : i32
        %sign3A_487 = arith.cmpi sgt, %add3A_486, %sign3A : i32
        %sign3A_488 = arith.extui %sign3A_487 : i1 to i32
        %sign3A_489 = arith.constant 0 : i32
        %sign3A_490 = arith.cmpi slt, %add3A_486, %sign3A_489 : i32
        %sign3A_491 = arith.extui %sign3A_490 : i1 to i32
        %sign3A_492 = arith.subi %sign3A_488, %sign3A_491 : i32
        %sign3A_493 = arith.constant 0 : i32
        %sign3A_494 = arith.cmpi sgt, %jit3A, %sign3A_493 : i32
        %sign3A_495 = arith.extui %sign3A_494 : i1 to i32
        %sign3A_496 = arith.constant 0 : i32
        %sign3A_497 = arith.cmpi slt, %jit3A, %sign3A_496 : i32
        %sign3A_498 = arith.extui %sign3A_497 : i1 to i32
        %sign3A_499 = arith.subi %sign3A_495, %sign3A_498 : i32
        %ne3A = arith.cmpi ne, %sign3A_492, %sign3A_499 : i32
        %rem3A = arith.remsi %add3A_486, %jit3A : i32
        %ne3A_500 = arith.constant 0 : i32
        %ne3A_501 = arith.cmpi ne, %rem3A, %ne3A_500 : i32
        %and3A_502 = arith.andi %ne3A, %ne3A_501 : i1
        %sub3A = arith.constant 1 : i32
        %sub3A_503 = arith.subi %div3A, %sub3A : i32
        %select_n3A = arith.select %and3A_502, %sub3A_503, %div3A : i32
        %jit3A_504 = arith.constant 2 : i32
        %eq3A_505 = arith.constant 0 : i32
        %eq3A_506 = arith.cmpi eq, %jit3A_504, %eq3A_505 : i32
        %jit3A_507 = arith.constant 1 : i32
        %select_n3A_508 = arith.select %eq3A_506, %jit3A_507, %jit3A_504 : i32
        %rem3A_509 = arith.remsi %add3A_486, %select_n3A_508 : i32
        %ne3A_510 = arith.constant 0 : i32
        %ne3A_511 = arith.cmpi ne, %rem3A_509, %ne3A_510 : i32
        %lt3A_512 = arith.constant 0 : i32
        %lt3A_513 = arith.cmpi slt, %rem3A_509, %lt3A_512 : i32
        %lt3A_514 = arith.constant 0 : i32
        %lt3A_515 = arith.cmpi slt, %select_n3A_508, %lt3A_514 : i32
        %ne3A_516 = arith.xori %lt3A_513, %lt3A_515 : i1
        %and3A_517 = arith.andi %ne3A_516, %ne3A_511 : i1
        %add3A_518 = arith.addi %rem3A_509, %select_n3A_508 : i32
        %select_n3A_519 = arith.select %and3A_517, %add3A_518, %rem3A_509 : i32
        %mul3A_520 = arith.constant 64 : i32
        %mul3A_521 = arith.muli %select_n3A_519, %mul3A_520 : i32
        %add3A_522 = arith.constant 0 : i32
        %add3A_523 = arith.addi %mul3A_521, %add3A_522 : i32
        %get3A_524 = arith.index_cast %select_n3A : i32 to index
        %get3A_525 = arith.index_cast %add3A_523 : i32 to index
        %get3A_526 = tpu.vector_load %arg9[%get3A_524, %get3A_525] {strides = array<i32>} : memref<80x128xi32, #tpu.memory_space<vmem>>, vector<1x16xi32>,
        %get3A_527 = vector.shape_cast %get3A_526 : vector<1x16xi32> to vector<16xi32>
        %and3A_528 = arith.constant 65535 : i32
        %and3A_529 = vector.broadcast %and3A_528 : i32 to vector<16xi32>
        %and3A_530 = arith.andi %get3A_527, %and3A_529 : vector<16xi32>
        %swap3A_531 = arith.constant 0 : i32
        %swap3A_532 = arith.index_cast %swap3A_531 : i32 to index
        %swap3A_533 = arith.constant 0 : index
        %swap3A_534 = tpu.vector_load %arg10[%swap3A_532, %swap3A_533] {strides = array<i32>} : memref<8x64xi32, #tpu.memory_space<vmem>>, vector<1x16xi32>,
        %swap3A_535 = vector.shape_cast %swap3A_534 : vector<1x16xi32> to vector<16xi32>
        %swap3A_536 = vector.shape_cast %and3A_530 : vector<16xi32> to vector<1x16xi32>
        tpu.vector_store %arg10[%swap3A_532, %swap3A_533], %swap3A_536 {strides = array<i32>} : memref<8x64xi32, #tpu.memory_space<vmem>>, vector<1x16xi32>,
        %shift_right_arithmetic3A_537 = arith.constant 16 : i32
        %shift_right_arithmetic3A_538 = vector.broadcast %shift_right_arithmetic3A_537 : i32 to vector<16xi32>
        %shift_right_arithmetic3A_539 = arith.shrsi %get3A_527, %shift_right_arithmetic3A_538 : vector<16xi32>
        %swap3A_540 = arith.constant 4 : i32
        %swap3A_541 = arith.index_cast %swap3A_540 : i32 to index
        %swap3A_542 = arith.constant 0 : index
        %swap3A_543 = tpu.vector_load %arg10[%swap3A_541, %swap3A_542] {strides = array<i32>} : memref<8x64xi32, #tpu.memory_space<vmem>>, vector<1x16xi32>,
        %swap3A_544 = vector.shape_cast %swap3A_543 : vector<1x16xi32> to vector<16xi32>
        %swap3A_545 = vector.shape_cast %shift_right_arithmetic3A_539 : vector<16xi32> to vector<1x16xi32>
        tpu.vector_store %arg10[%swap3A_541, %swap3A_542], %swap3A_545 {strides = array<i32>} : memref<8x64xi32, #tpu.memory_space<vmem>>, vector<1x16xi32>,
        %add3A_546 = arith.constant 16 : i32
        %add3A_547 = arith.addi %mul3A_521, %add3A_546 : i32
        %get3A_548 = arith.index_cast %select_n3A : i32 to index
        %get3A_549 = arith.index_cast %add3A_547 : i32 to index
        %get3A_550 = tpu.vector_load %arg9[%get3A_548, %get3A_549] {strides = array<i32>} : memref<80x128xi32, #tpu.memory_space<vmem>>, vector<1x16xi32>,
        %get3A_551 = vector.shape_cast %get3A_550 : vector<1x16xi32> to vector<16xi32>
        %and3A_552 = arith.constant 65535 : i32
        %and3A_553 = vector.broadcast %and3A_552 : i32 to vector<16xi32>
        %and3A_554 = arith.andi %get3A_551, %and3A_553 : vector<16xi32>
        %swap3A_555 = arith.constant 0 : i32
        %swap3A_556 = arith.index_cast %swap3A_555 : i32 to index
        %swap3A_557 = arith.constant 16 : index
        %swap3A_558 = tpu.vector_load %arg10[%swap3A_556, %swap3A_557] {strides = array<i32>} : memref<8x64xi32, #tpu.memory_space<vmem>>, vector<1x16xi32>,
        %swap3A_559 = vector.shape_cast %swap3A_558 : vector<1x16xi32> to vector<16xi32>
        %swap3A_560 = vector.shape_cast %and3A_554 : vector<16xi32> to vector<1x16xi32>
        tpu.vector_store %arg10[%swap3A_556, %swap3A_557], %swap3A_560 {strides = array<i32>} : memref<8x64xi32, #tpu.memory_space<vmem>>, vector<1x16xi32>,
        %shift_right_arithmetic3A_561 = arith.constant 16 : i32
        %shift_right_arithmetic3A_562 = vector.broadcast %shift_right_arithmetic3A_561 : i32 to vector<16xi32>
        %shift_right_arithmetic3A_563 = arith.shrsi %get3A_551, %shift_right_arithmetic3A_562 : vector<16xi32>
        %swap3A_564 = arith.constant 4 : i32
        %swap3A_565 = arith.index_cast %swap3A_564 : i32 to index
        %swap3A_566 = arith.constant 16 : index
        %swap3A_567 = tpu.vector_load %arg10[%swap3A_565, %swap3A_566] {strides = array<i32>} : memref<8x64xi32, #tpu.memory_space<vmem>>, vector<1x16xi32>,
        %swap3A_568 = vector.shape_cast %swap3A_567 : vector<1x16xi32> to vector<16xi32>
        %swap3A_569 = vector.shape_cast %shift_right_arithmetic3A_563 : vector<16xi32> to vector<1x16xi32>
        tpu.vector_store %arg10[%swap3A_565, %swap3A_566], %swap3A_569 {strides = array<i32>} : memref<8x64xi32, #tpu.memory_space<vmem>>, vector<1x16xi32>,
        %add3A_570 = arith.constant 32 : i32
        %add3A_571 = arith.addi %mul3A_521, %add3A_570 : i32
        %get3A_572 = arith.index_cast %select_n3A : i32 to index
        %get3A_573 = arith.index_cast %add3A_571 : i32 to index
        %get3A_574 = tpu.vector_load %arg9[%get3A_572, %get3A_573] {strides = array<i32>} : memref<80x128xi32, #tpu.memory_space<vmem>>, vector<1x16xi32>,
        %get3A_575 = vector.shape_cast %get3A_574 : vector<1x16xi32> to vector<16xi32>
        %and3A_576 = arith.constant 65535 : i32
        %and3A_577 = vector.broadcast %and3A_576 : i32 to vector<16xi32>
        %and3A_578 = arith.andi %get3A_575, %and3A_577 : vector<16xi32>
        %swap3A_579 = arith.constant 0 : i32
        %swap3A_580 = arith.index_cast %swap3A_579 : i32 to index
        %swap3A_581 = arith.constant 32 : index
        %swap3A_582 = tpu.vector_load %arg10[%swap3A_580, %swap3A_581] {strides = array<i32>} : memref<8x64xi32, #tpu.memory_space<vmem>>, vector<1x16xi32>,
        %swap3A_583 = vector.shape_cast %swap3A_582 : vector<1x16xi32> to vector<16xi32>
        %swap3A_584 = vector.shape_cast %and3A_578 : vector<16xi32> to vector<1x16xi32>
        tpu.vector_store %arg10[%swap3A_580, %swap3A_581], %swap3A_584 {strides = array<i32>} : memref<8x64xi32, #tpu.memory_space<vmem>>, vector<1x16xi32>,
        %shift_right_arithmetic3A_585 = arith.constant 16 : i32
        %shift_right_arithmetic3A_586 = vector.broadcast %shift_right_arithmetic3A_585 : i32 to vector<16xi32>
        %shift_right_arithmetic3A_587 = arith.shrsi %get3A_575, %shift_right_arithmetic3A_586 : vector<16xi32>
        %swap3A_588 = arith.constant 4 : i32
        %swap3A_589 = arith.index_cast %swap3A_588 : i32 to index
        %swap3A_590 = arith.constant 32 : index
        %swap3A_591 = tpu.vector_load %arg10[%swap3A_589, %swap3A_590] {strides = array<i32>} : memref<8x64xi32, #tpu.memory_space<vmem>>, vector<1x16xi32>,
        %swap3A_592 = vector.shape_cast %swap3A_591 : vector<1x16xi32> to vector<16xi32>
        %swap3A_593 = vector.shape_cast %shift_right_arithmetic3A_587 : vector<16xi32> to vector<1x16xi32>
        tpu.vector_store %arg10[%swap3A_589, %swap3A_590], %swap3A_593 {strides = array<i32>} : memref<8x64xi32, #tpu.memory_space<vmem>>, vector<1x16xi32>,
        %add3A_594 = arith.constant 48 : i32
        %add3A_595 = arith.addi %mul3A_521, %add3A_594 : i32
        %get3A_596 = arith.index_cast %select_n3A : i32 to index
        %get3A_597 = arith.index_cast %add3A_595 : i32 to index
        %get3A_598 = tpu.vector_load %arg9[%get3A_596, %get3A_597] {strides = array<i32>} : memref<80x128xi32, #tpu.memory_space<vmem>>, vector<1x16xi32>,
        %get3A_599 = vector.shape_cast %get3A_598 : vector<1x16xi32> to vector<16xi32>
        %and3A_600 = arith.constant 65535 : i32
        %and3A_601 = vector.broadcast %and3A_600 : i32 to vector<16xi32>
        %and3A_602 = arith.andi %get3A_599, %and3A_601 : vector<16xi32>
        %swap3A_603 = arith.constant 0 : i32
        %swap3A_604 = arith.index_cast %swap3A_603 : i32 to index
        %swap3A_605 = arith.constant 48 : index
        %swap3A_606 = tpu.vector_load %arg10[%swap3A_604, %swap3A_605] {strides = array<i32>} : memref<8x64xi32, #tpu.memory_space<vmem>>, vector<1x16xi32>,
        %swap3A_607 = vector.shape_cast %swap3A_606 : vector<1x16xi32> to vector<16xi32>
        %swap3A_608 = vector.shape_cast %and3A_602 : vector<16xi32> to vector<1x16xi32>
        tpu.vector_store %arg10[%swap3A_604, %swap3A_605], %swap3A_608 {strides = array<i32>} : memref<8x64xi32, #tpu.memory_space<vmem>>, vector<1x16xi32>,
        %shift_right_arithmetic3A_609 = arith.constant 16 : i32
        %shift_right_arithmetic3A_610 = vector.broadcast %shift_right_arithmetic3A_609 : i32 to vector<16xi32>
        %shift_right_arithmetic3A_611 = arith.shrsi %get3A_599, %shift_right_arithmetic3A_610 : vector<16xi32>
        %swap3A_612 = arith.constant 4 : i32
        %swap3A_613 = arith.index_cast %swap3A_612 : i32 to index
        %swap3A_614 = arith.constant 48 : index
        %swap3A_615 = tpu.vector_load %arg10[%swap3A_613, %swap3A_614] {strides = array<i32>} : memref<8x64xi32, #tpu.memory_space<vmem>>, vector<1x16xi32>,
        %swap3A_616 = vector.shape_cast %swap3A_615 : vector<1x16xi32> to vector<16xi32>
        %swap3A_617 = vector.shape_cast %shift_right_arithmetic3A_611 : vector<16xi32> to vector<1x16xi32>
        tpu.vector_store %arg10[%swap3A_613, %swap3A_614], %swap3A_617 {strides = array<i32>} : memref<8x64xi32, #tpu.memory_space<vmem>>, vector<1x16xi32>,
        %dma_start3A_618 = arith.constant 0 : i32
        %dma_start3A_619 = arith.constant 0 : i32
        %dma_start3A_620 = tpu.memref_slice %arg10[%dma_start3A_618, %dma_start3A_619] : memref<8x64xi32, #tpu.memory_space<vmem>> -> memref<1x64xi32, #tpu.memory_space<vmem>>
        %dma_start3A_621 = tpu.memref_squeeze %dma_start3A_620 : memref<1x64xi32, #tpu.memory_space<vmem>> -> memref<64xi32, #tpu.memory_space<vmem>>
        %dma_start3A_622 = arith.constant 0 : i32
        %dma_start3A_623 = arith.constant 0 : i32
        %dma_start3A_624 = tpu.memref_slice %arg8[%dma_start3A_622, %dma_start3A_623] : memref<10112x128xbf16, #tpu.memory_space<vmem_shared>> -> memref<10112x128xbf16, #tpu.memory_space<vmem_shared>>
        tpu.enqueue_indirect_dma source(%dma_start3A_624 : memref<10112x128xbf16, #tpu.memory_space<vmem_shared>>) target(%arg11 : memref<64x128xbf16, #tpu.memory_space<vmem>>) offsets(%dma_start3A_621 : memref<64xi32, #tpu.memory_space<vmem>>) semaphore(%arg15 : memref<!tpu.dma_semaphore, #tpu.memory_space<semaphore_mem>>)
      } else {
      }
      %add3A_434 = arith.constant 1 : i32
      %add3A_435 = arith.addi %mul3A_418, %add3A_434 : i32
      %dma_wait3A_436 = arith.constant 1 : i32
      %dma_wait3A_437 = arith.constant 0 : i32
      %dma_wait3A_438 = tpu.memref_slice %arg10[%dma_wait3A_436, %dma_wait3A_437] : memref<8x64xi32, #tpu.memory_space<vmem>> -> memref<1x64xi32, #tpu.memory_space<vmem>>
      %dma_wait3A_439 = tpu.memref_squeeze %dma_wait3A_438 : memref<1x64xi32, #tpu.memory_space<vmem>> -> memref<64xi32, #tpu.memory_space<vmem>>
      %dma_wait3A_440 = arith.constant 0 : i32
      %dma_wait3A_441 = arith.constant 0 : i32
      %dma_wait3A_442 = tpu.memref_slice %arg8[%dma_wait3A_440, %dma_wait3A_441] : memref<10112x128xbf16, #tpu.memory_space<vmem_shared>> -> memref<10112x128xbf16, #tpu.memory_space<vmem_shared>>
      tpu.wait_indirect_dma semaphore(%arg16 : memref<!tpu.dma_semaphore, #tpu.memory_space<semaphore_mem>>) src(%dma_wait3A_442 : memref<10112x128xbf16, #tpu.memory_space<vmem_shared>>) dst(%arg12 : memref<64x128xbf16, #tpu.memory_space<vmem>>)
      %run_scoped3A_443 = arith.constant 5 : i32
      "tpu.region"() ({
        %run_scoped3A_485 = tpu.sem_alloc : memref<!tpu.dma_semaphore, #tpu.memory_space<semaphore_mem>>
        %dma_start3A_486 = arith.constant 0 : i32
        %dma_start3A_487 = tpu.memref_slice %arg10[%run_scoped3A_443, %dma_start3A_486] : memref<8x64xi32, #tpu.memory_space<vmem>> -> memref<1x64xi32, #tpu.memory_space<vmem>>
        %dma_start3A_488 = tpu.memref_squeeze %dma_start3A_487 : memref<1x64xi32, #tpu.memory_space<vmem>> -> memref<64xi32, #tpu.memory_space<vmem>>
        %dma_start3A_489 = arith.constant 0 : i32
        %dma_start3A_490 = arith.constant 0 : i32
        %dma_start3A_491 = tpu.memref_slice %arg7[%dma_start3A_489, %dma_start3A_490] : memref<10112x128xbf16, #tpu.memory_space<vmem_shared>> -> memref<10112x128xbf16, #tpu.memory_space<vmem_shared>>
        tpu.enqueue_indirect_dma source(%arg12 : memref<64x128xbf16, #tpu.memory_space<vmem>>) target(%dma_start3A_491 : memref<10112x128xbf16, #tpu.memory_space<vmem_shared>>) offsets(%dma_start3A_488 : memref<64xi32, #tpu.memory_space<vmem>>) semaphore(%run_scoped3A_485 : memref<!tpu.dma_semaphore, #tpu.memory_space<semaphore_mem>>) {add = true}
        %dma_wait3A_492 = arith.constant 0 : i32
        %dma_wait3A_493 = tpu.memref_slice %arg10[%run_scoped3A_443, %dma_wait3A_492] : memref<8x64xi32, #tpu.memory_space<vmem>> -> memref<1x64xi32, #tpu.memory_space<vmem>>
        %dma_wait3A_494 = tpu.memref_squeeze %dma_wait3A_493 : memref<1x64xi32, #tpu.memory_space<vmem>> -> memref<64xi32, #tpu.memory_space<vmem>>
        %dma_wait3A_495 = arith.constant 0 : i32
        %dma_wait3A_496 = arith.constant 0 : i32
        %dma_wait3A_497 = tpu.memref_slice %arg7[%dma_wait3A_495, %dma_wait3A_496] : memref<10112x128xbf16, #tpu.memory_space<vmem_shared>> -> memref<10112x128xbf16, #tpu.memory_space<vmem_shared>>
        tpu.wait_indirect_dma semaphore(%run_scoped3A_485 : memref<!tpu.dma_semaphore, #tpu.memory_space<semaphore_mem>>) src(%arg12 : memref<64x128xbf16, #tpu.memory_space<vmem>>) dst(%dma_wait3A_497 : memref<10112x128xbf16, #tpu.memory_space<vmem_shared>>)
        tpu.yield
      }) : () -> ()
      %add3A_444 = arith.constant 4 : i32
      %add3A_445 = arith.addi %add3A_435, %add3A_444 : i32
      %lt3A_446 = arith.constant 160 : i32
      %lt3A_447 = arith.cmpi slt, %add3A_445, %lt3A_446 : i32
      %convert_element_type3A_448 = arith.extui %lt3A_447 : i1 to i32
      %cond3A_449 = arith.constant 0 : i32
      %cond3A_450 = arith.cmpi ne, %convert_element_type3A_448, %cond3A_449 : i32
      scf.if %cond3A_450 {
        %add3A_485 = arith.constant 4 : i32
        %add3A_486 = arith.addi %add3A_435, %add3A_485 : i32
        %jit3A = arith.constant 2 : i32
        %div3A = arith.divsi %add3A_486, %jit3A : i32
        %sign3A = arith.constant 0 : i32
        %sign3A_487 = arith.cmpi sgt, %add3A_486, %sign3A : i32
        %sign3A_488 = arith.extui %sign3A_487 : i1 to i32
        %sign3A_489 = arith.constant 0 : i32
        %sign3A_490 = arith.cmpi slt, %add3A_486, %sign3A_489 : i32
        %sign3A_491 = arith.extui %sign3A_490 : i1 to i32
        %sign3A_492 = arith.subi %sign3A_488, %sign3A_491 : i32
        %sign3A_493 = arith.constant 0 : i32
        %sign3A_494 = arith.cmpi sgt, %jit3A, %sign3A_493 : i32
        %sign3A_495 = arith.extui %sign3A_494 : i1 to i32
        %sign3A_496 = arith.constant 0 : i32
        %sign3A_497 = arith.cmpi slt, %jit3A, %sign3A_496 : i32
        %sign3A_498 = arith.extui %sign3A_497 : i1 to i32
        %sign3A_499 = arith.subi %sign3A_495, %sign3A_498 : i32
        %ne3A = arith.cmpi ne, %sign3A_492, %sign3A_499 : i32
        %rem3A = arith.remsi %add3A_486, %jit3A : i32
        %ne3A_500 = arith.constant 0 : i32
        %ne3A_501 = arith.cmpi ne, %rem3A, %ne3A_500 : i32
        %and3A_502 = arith.andi %ne3A, %ne3A_501 : i1
        %sub3A = arith.constant 1 : i32
        %sub3A_503 = arith.subi %div3A, %sub3A : i32
        %select_n3A = arith.select %and3A_502, %sub3A_503, %div3A : i32
        %jit3A_504 = arith.constant 2 : i32
        %eq3A_505 = arith.constant 0 : i32
        %eq3A_506 = arith.cmpi eq, %jit3A_504, %eq3A_505 : i32
        %jit3A_507 = arith.constant 1 : i32
        %select_n3A_508 = arith.select %eq3A_506, %jit3A_507, %jit3A_504 : i32
        %rem3A_509 = arith.remsi %add3A_486, %select_n3A_508 : i32
        %ne3A_510 = arith.constant 0 : i32
        %ne3A_511 = arith.cmpi ne, %rem3A_509, %ne3A_510 : i32
        %lt3A_512 = arith.constant 0 : i32
        %lt3A_513 = arith.cmpi slt, %rem3A_509, %lt3A_512 : i32
        %lt3A_514 = arith.constant 0 : i32
        %lt3A_515 = arith.cmpi slt, %select_n3A_508, %lt3A_514 : i32
        %ne3A_516 = arith.xori %lt3A_513, %lt3A_515 : i1
        %and3A_517 = arith.andi %ne3A_516, %ne3A_511 : i1
        %add3A_518 = arith.addi %rem3A_509, %select_n3A_508 : i32
        %select_n3A_519 = arith.select %and3A_517, %add3A_518, %rem3A_509 : i32
        %mul3A_520 = arith.constant 64 : i32
        %mul3A_521 = arith.muli %select_n3A_519, %mul3A_520 : i32
        %add3A_522 = arith.constant 0 : i32
        %add3A_523 = arith.addi %mul3A_521, %add3A_522 : i32
        %get3A_524 = arith.index_cast %select_n3A : i32 to index
        %get3A_525 = arith.index_cast %add3A_523 : i32 to index
        %get3A_526 = tpu.vector_load %arg9[%get3A_524, %get3A_525] {strides = array<i32>} : memref<80x128xi32, #tpu.memory_space<vmem>>, vector<1x16xi32>,
        %get3A_527 = vector.shape_cast %get3A_526 : vector<1x16xi32> to vector<16xi32>
        %and3A_528 = arith.constant 65535 : i32
        %and3A_529 = vector.broadcast %and3A_528 : i32 to vector<16xi32>
        %and3A_530 = arith.andi %get3A_527, %and3A_529 : vector<16xi32>
        %swap3A_531 = arith.constant 1 : i32
        %swap3A_532 = arith.index_cast %swap3A_531 : i32 to index
        %swap3A_533 = arith.constant 0 : index
        %swap3A_534 = tpu.vector_load %arg10[%swap3A_532, %swap3A_533] {strides = array<i32>} : memref<8x64xi32, #tpu.memory_space<vmem>>, vector<1x16xi32>,
        %swap3A_535 = vector.shape_cast %swap3A_534 : vector<1x16xi32> to vector<16xi32>
        %swap3A_536 = vector.shape_cast %and3A_530 : vector<16xi32> to vector<1x16xi32>
        tpu.vector_store %arg10[%swap3A_532, %swap3A_533], %swap3A_536 {strides = array<i32>} : memref<8x64xi32, #tpu.memory_space<vmem>>, vector<1x16xi32>,
        %shift_right_arithmetic3A_537 = arith.constant 16 : i32
        %shift_right_arithmetic3A_538 = vector.broadcast %shift_right_arithmetic3A_537 : i32 to vector<16xi32>
        %shift_right_arithmetic3A_539 = arith.shrsi %get3A_527, %shift_right_arithmetic3A_538 : vector<16xi32>
        %swap3A_540 = arith.constant 5 : i32
        %swap3A_541 = arith.index_cast %swap3A_540 : i32 to index
        %swap3A_542 = arith.constant 0 : index
        %swap3A_543 = tpu.vector_load %arg10[%swap3A_541, %swap3A_542] {strides = array<i32>} : memref<8x64xi32, #tpu.memory_space<vmem>>, vector<1x16xi32>,
        %swap3A_544 = vector.shape_cast %swap3A_543 : vector<1x16xi32> to vector<16xi32>
        %swap3A_545 = vector.shape_cast %shift_right_arithmetic3A_539 : vector<16xi32> to vector<1x16xi32>
        tpu.vector_store %arg10[%swap3A_541, %swap3A_542], %swap3A_545 {strides = array<i32>} : memref<8x64xi32, #tpu.memory_space<vmem>>, vector<1x16xi32>,
        %add3A_546 = arith.constant 16 : i32
        %add3A_547 = arith.addi %mul3A_521, %add3A_546 : i32
        %get3A_548 = arith.index_cast %select_n3A : i32 to index
        %get3A_549 = arith.index_cast %add3A_547 : i32 to index
        %get3A_550 = tpu.vector_load %arg9[%get3A_548, %get3A_549] {strides = array<i32>} : memref<80x128xi32, #tpu.memory_space<vmem>>, vector<1x16xi32>,
        %get3A_551 = vector.shape_cast %get3A_550 : vector<1x16xi32> to vector<16xi32>
        %and3A_552 = arith.constant 65535 : i32
        %and3A_553 = vector.broadcast %and3A_552 : i32 to vector<16xi32>
        %and3A_554 = arith.andi %get3A_551, %and3A_553 : vector<16xi32>
        %swap3A_555 = arith.constant 1 : i32
        %swap3A_556 = arith.index_cast %swap3A_555 : i32 to index
        %swap3A_557 = arith.constant 16 : index
        %swap3A_558 = tpu.vector_load %arg10[%swap3A_556, %swap3A_557] {strides = array<i32>} : memref<8x64xi32, #tpu.memory_space<vmem>>, vector<1x16xi32>,
        %swap3A_559 = vector.shape_cast %swap3A_558 : vector<1x16xi32> to vector<16xi32>
        %swap3A_560 = vector.shape_cast %and3A_554 : vector<16xi32> to vector<1x16xi32>
        tpu.vector_store %arg10[%swap3A_556, %swap3A_557], %swap3A_560 {strides = array<i32>} : memref<8x64xi32, #tpu.memory_space<vmem>>, vector<1x16xi32>,
        %shift_right_arithmetic3A_561 = arith.constant 16 : i32
        %shift_right_arithmetic3A_562 = vector.broadcast %shift_right_arithmetic3A_561 : i32 to vector<16xi32>
        %shift_right_arithmetic3A_563 = arith.shrsi %get3A_551, %shift_right_arithmetic3A_562 : vector<16xi32>
        %swap3A_564 = arith.constant 5 : i32
        %swap3A_565 = arith.index_cast %swap3A_564 : i32 to index
        %swap3A_566 = arith.constant 16 : index
        %swap3A_567 = tpu.vector_load %arg10[%swap3A_565, %swap3A_566] {strides = array<i32>} : memref<8x64xi32, #tpu.memory_space<vmem>>, vector<1x16xi32>,
        %swap3A_568 = vector.shape_cast %swap3A_567 : vector<1x16xi32> to vector<16xi32>
        %swap3A_569 = vector.shape_cast %shift_right_arithmetic3A_563 : vector<16xi32> to vector<1x16xi32>
        tpu.vector_store %arg10[%swap3A_565, %swap3A_566], %swap3A_569 {strides = array<i32>} : memref<8x64xi32, #tpu.memory_space<vmem>>, vector<1x16xi32>,
        %add3A_570 = arith.constant 32 : i32
        %add3A_571 = arith.addi %mul3A_521, %add3A_570 : i32
        %get3A_572 = arith.index_cast %select_n3A : i32 to index
        %get3A_573 = arith.index_cast %add3A_571 : i32 to index
        %get3A_574 = tpu.vector_load %arg9[%get3A_572, %get3A_573] {strides = array<i32>} : memref<80x128xi32, #tpu.memory_space<vmem>>, vector<1x16xi32>,
        %get3A_575 = vector.shape_cast %get3A_574 : vector<1x16xi32> to vector<16xi32>
        %and3A_576 = arith.constant 65535 : i32
        %and3A_577 = vector.broadcast %and3A_576 : i32 to vector<16xi32>
        %and3A_578 = arith.andi %get3A_575, %and3A_577 : vector<16xi32>
        %swap3A_579 = arith.constant 1 : i32
        %swap3A_580 = arith.index_cast %swap3A_579 : i32 to index
        %swap3A_581 = arith.constant 32 : index
        %swap3A_582 = tpu.vector_load %arg10[%swap3A_580, %swap3A_581] {strides = array<i32>} : memref<8x64xi32, #tpu.memory_space<vmem>>, vector<1x16xi32>,
        %swap3A_583 = vector.shape_cast %swap3A_582 : vector<1x16xi32> to vector<16xi32>
        %swap3A_584 = vector.shape_cast %and3A_578 : vector<16xi32> to vector<1x16xi32>
        tpu.vector_store %arg10[%swap3A_580, %swap3A_581], %swap3A_584 {strides = array<i32>} : memref<8x64xi32, #tpu.memory_space<vmem>>, vector<1x16xi32>,
        %shift_right_arithmetic3A_585 = arith.constant 16 : i32
        %shift_right_arithmetic3A_586 = vector.broadcast %shift_right_arithmetic3A_585 : i32 to vector<16xi32>
        %shift_right_arithmetic3A_587 = arith.shrsi %get3A_575, %shift_right_arithmetic3A_586 : vector<16xi32>
        %swap3A_588 = arith.constant 5 : i32
        %swap3A_589 = arith.index_cast %swap3A_588 : i32 to index
        %swap3A_590 = arith.constant 32 : index
        %swap3A_591 = tpu.vector_load %arg10[%swap3A_589, %swap3A_590] {strides = array<i32>} : memref<8x64xi32, #tpu.memory_space<vmem>>, vector<1x16xi32>,
        %swap3A_592 = vector.shape_cast %swap3A_591 : vector<1x16xi32> to vector<16xi32>
        %swap3A_593 = vector.shape_cast %shift_right_arithmetic3A_587 : vector<16xi32> to vector<1x16xi32>
        tpu.vector_store %arg10[%swap3A_589, %swap3A_590], %swap3A_593 {strides = array<i32>} : memref<8x64xi32, #tpu.memory_space<vmem>>, vector<1x16xi32>,
        %add3A_594 = arith.constant 48 : i32
        %add3A_595 = arith.addi %mul3A_521, %add3A_594 : i32
        %get3A_596 = arith.index_cast %select_n3A : i32 to index
        %get3A_597 = arith.index_cast %add3A_595 : i32 to index
        %get3A_598 = tpu.vector_load %arg9[%get3A_596, %get3A_597] {strides = array<i32>} : memref<80x128xi32, #tpu.memory_space<vmem>>, vector<1x16xi32>,
        %get3A_599 = vector.shape_cast %get3A_598 : vector<1x16xi32> to vector<16xi32>
        %and3A_600 = arith.constant 65535 : i32
        %and3A_601 = vector.broadcast %and3A_600 : i32 to vector<16xi32>
        %and3A_602 = arith.andi %get3A_599, %and3A_601 : vector<16xi32>
        %swap3A_603 = arith.constant 1 : i32
        %swap3A_604 = arith.index_cast %swap3A_603 : i32 to index
        %swap3A_605 = arith.constant 48 : index
        %swap3A_606 = tpu.vector_load %arg10[%swap3A_604, %swap3A_605] {strides = array<i32>} : memref<8x64xi32, #tpu.memory_space<vmem>>, vector<1x16xi32>,
        %swap3A_607 = vector.shape_cast %swap3A_606 : vector<1x16xi32> to vector<16xi32>
        %swap3A_608 = vector.shape_cast %and3A_602 : vector<16xi32> to vector<1x16xi32>
        tpu.vector_store %arg10[%swap3A_604, %swap3A_605], %swap3A_608 {strides = array<i32>} : memref<8x64xi32, #tpu.memory_space<vmem>>, vector<1x16xi32>,
        %shift_right_arithmetic3A_609 = arith.constant 16 : i32
        %shift_right_arithmetic3A_610 = vector.broadcast %shift_right_arithmetic3A_609 : i32 to vector<16xi32>
        %shift_right_arithmetic3A_611 = arith.shrsi %get3A_599, %shift_right_arithmetic3A_610 : vector<16xi32>
        %swap3A_612 = arith.constant 5 : i32
        %swap3A_613 = arith.index_cast %swap3A_612 : i32 to index
        %swap3A_614 = arith.constant 48 : index
        %swap3A_615 = tpu.vector_load %arg10[%swap3A_613, %swap3A_614] {strides = array<i32>} : memref<8x64xi32, #tpu.memory_space<vmem>>, vector<1x16xi32>,
        %swap3A_616 = vector.shape_cast %swap3A_615 : vector<1x16xi32> to vector<16xi32>
        %swap3A_617 = vector.shape_cast %shift_right_arithmetic3A_611 : vector<16xi32> to vector<1x16xi32>
        tpu.vector_store %arg10[%swap3A_613, %swap3A_614], %swap3A_617 {strides = array<i32>} : memref<8x64xi32, #tpu.memory_space<vmem>>, vector<1x16xi32>,
        %dma_start3A_618 = arith.constant 1 : i32
        %dma_start3A_619 = arith.constant 0 : i32
        %dma_start3A_620 = tpu.memref_slice %arg10[%dma_start3A_618, %dma_start3A_619] : memref<8x64xi32, #tpu.memory_space<vmem>> -> memref<1x64xi32, #tpu.memory_space<vmem>>
        %dma_start3A_621 = tpu.memref_squeeze %dma_start3A_620 : memref<1x64xi32, #tpu.memory_space<vmem>> -> memref<64xi32, #tpu.memory_space<vmem>>
        %dma_start3A_622 = arith.constant 0 : i32
        %dma_start3A_623 = arith.constant 0 : i32
        %dma_start3A_624 = tpu.memref_slice %arg8[%dma_start3A_622, %dma_start3A_623] : memref<10112x128xbf16, #tpu.memory_space<vmem_shared>> -> memref<10112x128xbf16, #tpu.memory_space<vmem_shared>>
        tpu.enqueue_indirect_dma source(%dma_start3A_624 : memref<10112x128xbf16, #tpu.memory_space<vmem_shared>>) target(%arg12 : memref<64x128xbf16, #tpu.memory_space<vmem>>) offsets(%dma_start3A_621 : memref<64xi32, #tpu.memory_space<vmem>>) semaphore(%arg16 : memref<!tpu.dma_semaphore, #tpu.memory_space<semaphore_mem>>)
      } else {
      }
      %add3A_451 = arith.constant 2 : i32
      %add3A_452 = arith.addi %mul3A_418, %add3A_451 : i32
      %dma_wait3A_453 = arith.constant 2 : i32
      %dma_wait3A_454 = arith.constant 0 : i32
      %dma_wait3A_455 = tpu.memref_slice %arg10[%dma_wait3A_453, %dma_wait3A_454] : memref<8x64xi32, #tpu.memory_space<vmem>> -> memref<1x64xi32, #tpu.memory_space<vmem>>
      %dma_wait3A_456 = tpu.memref_squeeze %dma_wait3A_455 : memref<1x64xi32, #tpu.memory_space<vmem>> -> memref<64xi32, #tpu.memory_space<vmem>>
      %dma_wait3A_457 = arith.constant 0 : i32
      %dma_wait3A_458 = arith.constant 0 : i32
      %dma_wait3A_459 = tpu.memref_slice %arg8[%dma_wait3A_457, %dma_wait3A_458] : memref<10112x128xbf16, #tpu.memory_space<vmem_shared>> -> memref<10112x128xbf16, #tpu.memory_space<vmem_shared>>
      tpu.wait_indirect_dma semaphore(%arg17 : memref<!tpu.dma_semaphore, #tpu.memory_space<semaphore_mem>>) src(%dma_wait3A_459 : memref<10112x128xbf16, #tpu.memory_space<vmem_shared>>) dst(%arg13 : memref<64x128xbf16, #tpu.memory_space<vmem>>)
      %run_scoped3A_460 = arith.constant 6 : i32
      "tpu.region"() ({
        %run_scoped3A_485 = tpu.sem_alloc : memref<!tpu.dma_semaphore, #tpu.memory_space<semaphore_mem>>
        %dma_start3A_486 = arith.constant 0 : i32
        %dma_start3A_487 = tpu.memref_slice %arg10[%run_scoped3A_460, %dma_start3A_486] : memref<8x64xi32, #tpu.memory_space<vmem>> -> memref<1x64xi32, #tpu.memory_space<vmem>>
        %dma_start3A_488 = tpu.memref_squeeze %dma_start3A_487 : memref<1x64xi32, #tpu.memory_space<vmem>> -> memref<64xi32, #tpu.memory_space<vmem>>
        %dma_start3A_489 = arith.constant 0 : i32
        %dma_start3A_490 = arith.constant 0 : i32
        %dma_start3A_491 = tpu.memref_slice %arg7[%dma_start3A_489, %dma_start3A_490] : memref<10112x128xbf16, #tpu.memory_space<vmem_shared>> -> memref<10112x128xbf16, #tpu.memory_space<vmem_shared>>
        tpu.enqueue_indirect_dma source(%arg13 : memref<64x128xbf16, #tpu.memory_space<vmem>>) target(%dma_start3A_491 : memref<10112x128xbf16, #tpu.memory_space<vmem_shared>>) offsets(%dma_start3A_488 : memref<64xi32, #tpu.memory_space<vmem>>) semaphore(%run_scoped3A_485 : memref<!tpu.dma_semaphore, #tpu.memory_space<semaphore_mem>>) {add = true}
        %dma_wait3A_492 = arith.constant 0 : i32
        %dma_wait3A_493 = tpu.memref_slice %arg10[%run_scoped3A_460, %dma_wait3A_492] : memref<8x64xi32, #tpu.memory_space<vmem>> -> memref<1x64xi32, #tpu.memory_space<vmem>>
        %dma_wait3A_494 = tpu.memref_squeeze %dma_wait3A_493 : memref<1x64xi32, #tpu.memory_space<vmem>> -> memref<64xi32, #tpu.memory_space<vmem>>
        %dma_wait3A_495 = arith.constant 0 : i32
        %dma_wait3A_496 = arith.constant 0 : i32
        %dma_wait3A_497 = tpu.memref_slice %arg7[%dma_wait3A_495, %dma_wait3A_496] : memref<10112x128xbf16, #tpu.memory_space<vmem_shared>> -> memref<10112x128xbf16, #tpu.memory_space<vmem_shared>>
        tpu.wait_indirect_dma semaphore(%run_scoped3A_485 : memref<!tpu.dma_semaphore, #tpu.memory_space<semaphore_mem>>) src(%arg13 : memref<64x128xbf16, #tpu.memory_space<vmem>>) dst(%dma_wait3A_497 : memref<10112x128xbf16, #tpu.memory_space<vmem_shared>>)
        tpu.yield
      }) : () -> ()
      %add3A_461 = arith.constant 4 : i32
      %add3A_462 = arith.addi %add3A_452, %add3A_461 : i32
      %lt3A_463 = arith.constant 160 : i32
      %lt3A_464 = arith.cmpi slt, %add3A_462, %lt3A_463 : i32
      %convert_element_type3A_465 = arith.extui %lt3A_464 : i1 to i32
      %cond3A_466 = arith.constant 0 : i32
      %cond3A_467 = arith.cmpi ne, %convert_element_type3A_465, %cond3A_466 : i32
      scf.if %cond3A_467 {
        %add3A_485 = arith.constant 4 : i32
        %add3A_486 = arith.addi %add3A_452, %add3A_485 : i32
        %jit3A = arith.constant 2 : i32
        %div3A = arith.divsi %add3A_486, %jit3A : i32
        %sign3A = arith.constant 0 : i32
        %sign3A_487 = arith.cmpi sgt, %add3A_486, %sign3A : i32
        %sign3A_488 = arith.extui %sign3A_487 : i1 to i32
        %sign3A_489 = arith.constant 0 : i32
        %sign3A_490 = arith.cmpi slt, %add3A_486, %sign3A_489 : i32
        %sign3A_491 = arith.extui %sign3A_490 : i1 to i32
        %sign3A_492 = arith.subi %sign3A_488, %sign3A_491 : i32
        %sign3A_493 = arith.constant 0 : i32
        %sign3A_494 = arith.cmpi sgt, %jit3A, %sign3A_493 : i32
        %sign3A_495 = arith.extui %sign3A_494 : i1 to i32
        %sign3A_496 = arith.constant 0 : i32
        %sign3A_497 = arith.cmpi slt, %jit3A, %sign3A_496 : i32
        %sign3A_498 = arith.extui %sign3A_497 : i1 to i32
        %sign3A_499 = arith.subi %sign3A_495, %sign3A_498 : i32
        %ne3A = arith.cmpi ne, %sign3A_492, %sign3A_499 : i32
        %rem3A = arith.remsi %add3A_486, %jit3A : i32
        %ne3A_500 = arith.constant 0 : i32
        %ne3A_501 = arith.cmpi ne, %rem3A, %ne3A_500 : i32
        %and3A_502 = arith.andi %ne3A, %ne3A_501 : i1
        %sub3A = arith.constant 1 : i32
        %sub3A_503 = arith.subi %div3A, %sub3A : i32
        %select_n3A = arith.select %and3A_502, %sub3A_503, %div3A : i32
        %jit3A_504 = arith.constant 2 : i32
        %eq3A_505 = arith.constant 0 : i32
        %eq3A_506 = arith.cmpi eq, %jit3A_504, %eq3A_505 : i32
        %jit3A_507 = arith.constant 1 : i32
        %select_n3A_508 = arith.select %eq3A_506, %jit3A_507, %jit3A_504 : i32
        %rem3A_509 = arith.remsi %add3A_486, %select_n3A_508 : i32
        %ne3A_510 = arith.constant 0 : i32
        %ne3A_511 = arith.cmpi ne, %rem3A_509, %ne3A_510 : i32
        %lt3A_512 = arith.constant 0 : i32
        %lt3A_513 = arith.cmpi slt, %rem3A_509, %lt3A_512 : i32
        %lt3A_514 = arith.constant 0 : i32
        %lt3A_515 = arith.cmpi slt, %select_n3A_508, %lt3A_514 : i32
        %ne3A_516 = arith.xori %lt3A_513, %lt3A_515 : i1
        %and3A_517 = arith.andi %ne3A_516, %ne3A_511 : i1
        %add3A_518 = arith.addi %rem3A_509, %select_n3A_508 : i32
        %select_n3A_519 = arith.select %and3A_517, %add3A_518, %rem3A_509 : i32
        %mul3A_520 = arith.constant 64 : i32
        %mul3A_521 = arith.muli %select_n3A_519, %mul3A_520 : i32
        %add3A_522 = arith.constant 0 : i32
        %add3A_523 = arith.addi %mul3A_521, %add3A_522 : i32
        %get3A_524 = arith.index_cast %select_n3A : i32 to index
        %get3A_525 = arith.index_cast %add3A_523 : i32 to index
        %get3A_526 = tpu.vector_load %arg9[%get3A_524, %get3A_525] {strides = array<i32>} : memref<80x128xi32, #tpu.memory_space<vmem>>, vector<1x16xi32>,
        %get3A_527 = vector.shape_cast %get3A_526 : vector<1x16xi32> to vector<16xi32>
        %and3A_528 = arith.constant 65535 : i32
        %and3A_529 = vector.broadcast %and3A_528 : i32 to vector<16xi32>
        %and3A_530 = arith.andi %get3A_527, %and3A_529 : vector<16xi32>
        %swap3A_531 = arith.constant 2 : i32
        %swap3A_532 = arith.index_cast %swap3A_531 : i32 to index
        %swap3A_533 = arith.constant 0 : index
        %swap3A_534 = tpu.vector_load %arg10[%swap3A_532, %swap3A_533] {strides = array<i32>} : memref<8x64xi32, #tpu.memory_space<vmem>>, vector<1x16xi32>,
        %swap3A_535 = vector.shape_cast %swap3A_534 : vector<1x16xi32> to vector<16xi32>
        %swap3A_536 = vector.shape_cast %and3A_530 : vector<16xi32> to vector<1x16xi32>
        tpu.vector_store %arg10[%swap3A_532, %swap3A_533], %swap3A_536 {strides = array<i32>} : memref<8x64xi32, #tpu.memory_space<vmem>>, vector<1x16xi32>,
        %shift_right_arithmetic3A_537 = arith.constant 16 : i32
        %shift_right_arithmetic3A_538 = vector.broadcast %shift_right_arithmetic3A_537 : i32 to vector<16xi32>
        %shift_right_arithmetic3A_539 = arith.shrsi %get3A_527, %shift_right_arithmetic3A_538 : vector<16xi32>
        %swap3A_540 = arith.constant 6 : i32
        %swap3A_541 = arith.index_cast %swap3A_540 : i32 to index
        %swap3A_542 = arith.constant 0 : index
        %swap3A_543 = tpu.vector_load %arg10[%swap3A_541, %swap3A_542] {strides = array<i32>} : memref<8x64xi32, #tpu.memory_space<vmem>>, vector<1x16xi32>,
        %swap3A_544 = vector.shape_cast %swap3A_543 : vector<1x16xi32> to vector<16xi32>
        %swap3A_545 = vector.shape_cast %shift_right_arithmetic3A_539 : vector<16xi32> to vector<1x16xi32>
        tpu.vector_store %arg10[%swap3A_541, %swap3A_542], %swap3A_545 {strides = array<i32>} : memref<8x64xi32, #tpu.memory_space<vmem>>, vector<1x16xi32>,
        %add3A_546 = arith.constant 16 : i32
        %add3A_547 = arith.addi %mul3A_521, %add3A_546 : i32
        %get3A_548 = arith.index_cast %select_n3A : i32 to index
        %get3A_549 = arith.index_cast %add3A_547 : i32 to index
        %get3A_550 = tpu.vector_load %arg9[%get3A_548, %get3A_549] {strides = array<i32>} : memref<80x128xi32, #tpu.memory_space<vmem>>, vector<1x16xi32>,
        %get3A_551 = vector.shape_cast %get3A_550 : vector<1x16xi32> to vector<16xi32>
        %and3A_552 = arith.constant 65535 : i32
        %and3A_553 = vector.broadcast %and3A_552 : i32 to vector<16xi32>
        %and3A_554 = arith.andi %get3A_551, %and3A_553 : vector<16xi32>
        %swap3A_555 = arith.constant 2 : i32
        %swap3A_556 = arith.index_cast %swap3A_555 : i32 to index
        %swap3A_557 = arith.constant 16 : index
        %swap3A_558 = tpu.vector_load %arg10[%swap3A_556, %swap3A_557] {strides = array<i32>} : memref<8x64xi32, #tpu.memory_space<vmem>>, vector<1x16xi32>,
        %swap3A_559 = vector.shape_cast %swap3A_558 : vector<1x16xi32> to vector<16xi32>
        %swap3A_560 = vector.shape_cast %and3A_554 : vector<16xi32> to vector<1x16xi32>
        tpu.vector_store %arg10[%swap3A_556, %swap3A_557], %swap3A_560 {strides = array<i32>} : memref<8x64xi32, #tpu.memory_space<vmem>>, vector<1x16xi32>,
        %shift_right_arithmetic3A_561 = arith.constant 16 : i32
        %shift_right_arithmetic3A_562 = vector.broadcast %shift_right_arithmetic3A_561 : i32 to vector<16xi32>
        %shift_right_arithmetic3A_563 = arith.shrsi %get3A_551, %shift_right_arithmetic3A_562 : vector<16xi32>
        %swap3A_564 = arith.constant 6 : i32
        %swap3A_565 = arith.index_cast %swap3A_564 : i32 to index
        %swap3A_566 = arith.constant 16 : index
        %swap3A_567 = tpu.vector_load %arg10[%swap3A_565, %swap3A_566] {strides = array<i32>} : memref<8x64xi32, #tpu.memory_space<vmem>>, vector<1x16xi32>,
        %swap3A_568 = vector.shape_cast %swap3A_567 : vector<1x16xi32> to vector<16xi32>
        %swap3A_569 = vector.shape_cast %shift_right_arithmetic3A_563 : vector<16xi32> to vector<1x16xi32>
        tpu.vector_store %arg10[%swap3A_565, %swap3A_566], %swap3A_569 {strides = array<i32>} : memref<8x64xi32, #tpu.memory_space<vmem>>, vector<1x16xi32>,
        %add3A_570 = arith.constant 32 : i32
        %add3A_571 = arith.addi %mul3A_521, %add3A_570 : i32
        %get3A_572 = arith.index_cast %select_n3A : i32 to index
        %get3A_573 = arith.index_cast %add3A_571 : i32 to index
        %get3A_574 = tpu.vector_load %arg9[%get3A_572, %get3A_573] {strides = array<i32>} : memref<80x128xi32, #tpu.memory_space<vmem>>, vector<1x16xi32>,
        %get3A_575 = vector.shape_cast %get3A_574 : vector<1x16xi32> to vector<16xi32>
        %and3A_576 = arith.constant 65535 : i32
        %and3A_577 = vector.broadcast %and3A_576 : i32 to vector<16xi32>
        %and3A_578 = arith.andi %get3A_575, %and3A_577 : vector<16xi32>
        %swap3A_579 = arith.constant 2 : i32
        %swap3A_580 = arith.index_cast %swap3A_579 : i32 to index
        %swap3A_581 = arith.constant 32 : index
        %swap3A_582 = tpu.vector_load %arg10[%swap3A_580, %swap3A_581] {strides = array<i32>} : memref<8x64xi32, #tpu.memory_space<vmem>>, vector<1x16xi32>,
        %swap3A_583 = vector.shape_cast %swap3A_582 : vector<1x16xi32> to vector<16xi32>
        %swap3A_584 = vector.shape_cast %and3A_578 : vector<16xi32> to vector<1x16xi32>
        tpu.vector_store %arg10[%swap3A_580, %swap3A_581], %swap3A_584 {strides = array<i32>} : memref<8x64xi32, #tpu.memory_space<vmem>>, vector<1x16xi32>,
        %shift_right_arithmetic3A_585 = arith.constant 16 : i32
        %shift_right_arithmetic3A_586 = vector.broadcast %shift_right_arithmetic3A_585 : i32 to vector<16xi32>
        %shift_right_arithmetic3A_587 = arith.shrsi %get3A_575, %shift_right_arithmetic3A_586 : vector<16xi32>
        %swap3A_588 = arith.constant 6 : i32
        %swap3A_589 = arith.index_cast %swap3A_588 : i32 to index
        %swap3A_590 = arith.constant 32 : index
        %swap3A_591 = tpu.vector_load %arg10[%swap3A_589, %swap3A_590] {strides = array<i32>} : memref<8x64xi32, #tpu.memory_space<vmem>>, vector<1x16xi32>,
        %swap3A_592 = vector.shape_cast %swap3A_591 : vector<1x16xi32> to vector<16xi32>
        %swap3A_593 = vector.shape_cast %shift_right_arithmetic3A_587 : vector<16xi32> to vector<1x16xi32>
        tpu.vector_store %arg10[%swap3A_589, %swap3A_590], %swap3A_593 {strides = array<i32>} : memref<8x64xi32, #tpu.memory_space<vmem>>, vector<1x16xi32>,
        %add3A_594 = arith.constant 48 : i32
        %add3A_595 = arith.addi %mul3A_521, %add3A_594 : i32
        %get3A_596 = arith.index_cast %select_n3A : i32 to index
        %get3A_597 = arith.index_cast %add3A_595 : i32 to index
        %get3A_598 = tpu.vector_load %arg9[%get3A_596, %get3A_597] {strides = array<i32>} : memref<80x128xi32, #tpu.memory_space<vmem>>, vector<1x16xi32>,
        %get3A_599 = vector.shape_cast %get3A_598 : vector<1x16xi32> to vector<16xi32>
        %and3A_600 = arith.constant 65535 : i32
        %and3A_601 = vector.broadcast %and3A_600 : i32 to vector<16xi32>
        %and3A_602 = arith.andi %get3A_599, %and3A_601 : vector<16xi32>
        %swap3A_603 = arith.constant 2 : i32
        %swap3A_604 = arith.index_cast %swap3A_603 : i32 to index
        %swap3A_605 = arith.constant 48 : index
        %swap3A_606 = tpu.vector_load %arg10[%swap3A_604, %swap3A_605] {strides = array<i32>} : memref<8x64xi32, #tpu.memory_space<vmem>>, vector<1x16xi32>,
        %swap3A_607 = vector.shape_cast %swap3A_606 : vector<1x16xi32> to vector<16xi32>
        %swap3A_608 = vector.shape_cast %and3A_602 : vector<16xi32> to vector<1x16xi32>
        tpu.vector_store %arg10[%swap3A_604, %swap3A_605], %swap3A_608 {strides = array<i32>} : memref<8x64xi32, #tpu.memory_space<vmem>>, vector<1x16xi32>,
        %shift_right_arithmetic3A_609 = arith.constant 16 : i32
        %shift_right_arithmetic3A_610 = vector.broadcast %shift_right_arithmetic3A_609 : i32 to vector<16xi32>
        %shift_right_arithmetic3A_611 = arith.shrsi %get3A_599, %shift_right_arithmetic3A_610 : vector<16xi32>
        %swap3A_612 = arith.constant 6 : i32
        %swap3A_613 = arith.index_cast %swap3A_612 : i32 to index
        %swap3A_614 = arith.constant 48 : index
        %swap3A_615 = tpu.vector_load %arg10[%swap3A_613, %swap3A_614] {strides = array<i32>} : memref<8x64xi32, #tpu.memory_space<vmem>>, vector<1x16xi32>,
        %swap3A_616 = vector.shape_cast %swap3A_615 : vector<1x16xi32> to vector<16xi32>
        %swap3A_617 = vector.shape_cast %shift_right_arithmetic3A_611 : vector<16xi32> to vector<1x16xi32>
        tpu.vector_store %arg10[%swap3A_613, %swap3A_614], %swap3A_617 {strides = array<i32>} : memref<8x64xi32, #tpu.memory_space<vmem>>, vector<1x16xi32>,
        %dma_start3A_618 = arith.constant 2 : i32
        %dma_start3A_619 = arith.constant 0 : i32
        %dma_start3A_620 = tpu.memref_slice %arg10[%dma_start3A_618, %dma_start3A_619] : memref<8x64xi32, #tpu.memory_space<vmem>> -> memref<1x64xi32, #tpu.memory_space<vmem>>
        %dma_start3A_621 = tpu.memref_squeeze %dma_start3A_620 : memref<1x64xi32, #tpu.memory_space<vmem>> -> memref<64xi32, #tpu.memory_space<vmem>>
        %dma_start3A_622 = arith.constant 0 : i32
        %dma_start3A_623 = arith.constant 0 : i32
        %dma_start3A_624 = tpu.memref_slice %arg8[%dma_start3A_622, %dma_start3A_623] : memref<10112x128xbf16, #tpu.memory_space<vmem_shared>> -> memref<10112x128xbf16, #tpu.memory_space<vmem_shared>>
        tpu.enqueue_indirect_dma source(%dma_start3A_624 : memref<10112x128xbf16, #tpu.memory_space<vmem_shared>>) target(%arg13 : memref<64x128xbf16, #tpu.memory_space<vmem>>) offsets(%dma_start3A_621 : memref<64xi32, #tpu.memory_space<vmem>>) semaphore(%arg17 : memref<!tpu.dma_semaphore, #tpu.memory_space<semaphore_mem>>)
      } else {
      }
      %add3A_468 = arith.constant 3 : i32
      %add3A_469 = arith.addi %mul3A_418, %add3A_468 : i32
      %dma_wait3A_470 = arith.constant 3 : i32
      %dma_wait3A_471 = arith.constant 0 : i32
      %dma_wait3A_472 = tpu.memref_slice %arg10[%dma_wait3A_470, %dma_wait3A_471] : memref<8x64xi32, #tpu.memory_space<vmem>> -> memref<1x64xi32, #tpu.memory_space<vmem>>
      %dma_wait3A_473 = tpu.memref_squeeze %dma_wait3A_472 : memref<1x64xi32, #tpu.memory_space<vmem>> -> memref<64xi32, #tpu.memory_space<vmem>>
      %dma_wait3A_474 = arith.constant 0 : i32
      %dma_wait3A_475 = arith.constant 0 : i32
      %dma_wait3A_476 = tpu.memref_slice %arg8[%dma_wait3A_474, %dma_wait3A_475] : memref<10112x128xbf16, #tpu.memory_space<vmem_shared>> -> memref<10112x128xbf16, #tpu.memory_space<vmem_shared>>
      tpu.wait_indirect_dma semaphore(%arg18 : memref<!tpu.dma_semaphore, #tpu.memory_space<semaphore_mem>>) src(%dma_wait3A_476 : memref<10112x128xbf16, #tpu.memory_space<vmem_shared>>) dst(%arg14 : memref<64x128xbf16, #tpu.memory_space<vmem>>)
      %run_scoped3A_477 = arith.constant 7 : i32
      "tpu.region"() ({
        %run_scoped3A_485 = tpu.sem_alloc : memref<!tpu.dma_semaphore, #tpu.memory_space<semaphore_mem>>
        %dma_start3A_486 = arith.constant 0 : i32
        %dma_start3A_487 = tpu.memref_slice %arg10[%run_scoped3A_477, %dma_start3A_486] : memref<8x64xi32, #tpu.memory_space<vmem>> -> memref<1x64xi32, #tpu.memory_space<vmem>>
        %dma_start3A_488 = tpu.memref_squeeze %dma_start3A_487 : memref<1x64xi32, #tpu.memory_space<vmem>> -> memref<64xi32, #tpu.memory_space<vmem>>
        %dma_start3A_489 = arith.constant 0 : i32
        %dma_start3A_490 = arith.constant 0 : i32
        %dma_start3A_491 = tpu.memref_slice %arg7[%dma_start3A_489, %dma_start3A_490] : memref<10112x128xbf16, #tpu.memory_space<vmem_shared>> -> memref<10112x128xbf16, #tpu.memory_space<vmem_shared>>
        tpu.enqueue_indirect_dma source(%arg14 : memref<64x128xbf16, #tpu.memory_space<vmem>>) target(%dma_start3A_491 : memref<10112x128xbf16, #tpu.memory_space<vmem_shared>>) offsets(%dma_start3A_488 : memref<64xi32, #tpu.memory_space<vmem>>) semaphore(%run_scoped3A_485 : memref<!tpu.dma_semaphore, #tpu.memory_space<semaphore_mem>>) {add = true}
        %dma_wait3A_492 = arith.constant 0 : i32
        %dma_wait3A_493 = tpu.memref_slice %arg10[%run_scoped3A_477, %dma_wait3A_492] : memref<8x64xi32, #tpu.memory_space<vmem>> -> memref<1x64xi32, #tpu.memory_space<vmem>>
        %dma_wait3A_494 = tpu.memref_squeeze %dma_wait3A_493 : memref<1x64xi32, #tpu.memory_space<vmem>> -> memref<64xi32, #tpu.memory_space<vmem>>
        %dma_wait3A_495 = arith.constant 0 : i32
        %dma_wait3A_496 = arith.constant 0 : i32
        %dma_wait3A_497 = tpu.memref_slice %arg7[%dma_wait3A_495, %dma_wait3A_496] : memref<10112x128xbf16, #tpu.memory_space<vmem_shared>> -> memref<10112x128xbf16, #tpu.memory_space<vmem_shared>>
        tpu.wait_indirect_dma semaphore(%run_scoped3A_485 : memref<!tpu.dma_semaphore, #tpu.memory_space<semaphore_mem>>) src(%arg14 : memref<64x128xbf16, #tpu.memory_space<vmem>>) dst(%dma_wait3A_497 : memref<10112x128xbf16, #tpu.memory_space<vmem_shared>>)
        tpu.yield
      }) : () -> ()
      %add3A_478 = arith.constant 4 : i32
      %add3A_479 = arith.addi %add3A_469, %add3A_478 : i32
      %lt3A_480 = arith.constant 160 : i32
      %lt3A_481 = arith.cmpi slt, %add3A_479, %lt3A_480 : i32
      %convert_element_type3A_482 = arith.extui %lt3A_481 : i1 to i32
      %cond3A_483 = arith.constant 0 : i32
      %cond3A_484 = arith.cmpi ne, %convert_element_type3A_482, %cond3A_483 : i32
      scf.if %cond3A_484 {
        %add3A_485 = arith.constant 4 : i32
        %add3A_486 = arith.addi %add3A_469, %add3A_485 : i32
        %jit3A = arith.constant 2 : i32
        %div3A = arith.divsi %add3A_486, %jit3A : i32
        %sign3A = arith.constant 0 : i32
        %sign3A_487 = arith.cmpi sgt, %add3A_486, %sign3A : i32
        %sign3A_488 = arith.extui %sign3A_487 : i1 to i32
        %sign3A_489 = arith.constant 0 : i32
        %sign3A_490 = arith.cmpi slt, %add3A_486, %sign3A_489 : i32
        %sign3A_491 = arith.extui %sign3A_490 : i1 to i32
        %sign3A_492 = arith.subi %sign3A_488, %sign3A_491 : i32
        %sign3A_493 = arith.constant 0 : i32
        %sign3A_494 = arith.cmpi sgt, %jit3A, %sign3A_493 : i32
        %sign3A_495 = arith.extui %sign3A_494 : i1 to i32
        %sign3A_496 = arith.constant 0 : i32
        %sign3A_497 = arith.cmpi slt, %jit3A, %sign3A_496 : i32
        %sign3A_498 = arith.extui %sign3A_497 : i1 to i32
        %sign3A_499 = arith.subi %sign3A_495, %sign3A_498 : i32
        %ne3A = arith.cmpi ne, %sign3A_492, %sign3A_499 : i32
        %rem3A = arith.remsi %add3A_486, %jit3A : i32
        %ne3A_500 = arith.constant 0 : i32
        %ne3A_501 = arith.cmpi ne, %rem3A, %ne3A_500 : i32
        %and3A_502 = arith.andi %ne3A, %ne3A_501 : i1
        %sub3A = arith.constant 1 : i32
        %sub3A_503 = arith.subi %div3A, %sub3A : i32
        %select_n3A = arith.select %and3A_502, %sub3A_503, %div3A : i32
        %jit3A_504 = arith.constant 2 : i32
        %eq3A_505 = arith.constant 0 : i32
        %eq3A_506 = arith.cmpi eq, %jit3A_504, %eq3A_505 : i32
        %jit3A_507 = arith.constant 1 : i32
        %select_n3A_508 = arith.select %eq3A_506, %jit3A_507, %jit3A_504 : i32
        %rem3A_509 = arith.remsi %add3A_486, %select_n3A_508 : i32
        %ne3A_510 = arith.constant 0 : i32
        %ne3A_511 = arith.cmpi ne, %rem3A_509, %ne3A_510 : i32
        %lt3A_512 = arith.constant 0 : i32
        %lt3A_513 = arith.cmpi slt, %rem3A_509, %lt3A_512 : i32
        %lt3A_514 = arith.constant 0 : i32
        %lt3A_515 = arith.cmpi slt, %select_n3A_508, %lt3A_514 : i32
        %ne3A_516 = arith.xori %lt3A_513, %lt3A_515 : i1
        %and3A_517 = arith.andi %ne3A_516, %ne3A_511 : i1
        %add3A_518 = arith.addi %rem3A_509, %select_n3A_508 : i32
        %select_n3A_519 = arith.select %and3A_517, %add3A_518, %rem3A_509 : i32
        %mul3A_520 = arith.constant 64 : i32
        %mul3A_521 = arith.muli %select_n3A_519, %mul3A_520 : i32
        %add3A_522 = arith.constant 0 : i32
        %add3A_523 = arith.addi %mul3A_521, %add3A_522 : i32
        %get3A_524 = arith.index_cast %select_n3A : i32 to index
        %get3A_525 = arith.index_cast %add3A_523 : i32 to index
        %get3A_526 = tpu.vector_load %arg9[%get3A_524, %get3A_525] {strides = array<i32>} : memref<80x128xi32, #tpu.memory_space<vmem>>, vector<1x16xi32>,
        %get3A_527 = vector.shape_cast %get3A_526 : vector<1x16xi32> to vector<16xi32>
        %and3A_528 = arith.constant 65535 : i32
        %and3A_529 = vector.broadcast %and3A_528 : i32 to vector<16xi32>
        %and3A_530 = arith.andi %get3A_527, %and3A_529 : vector<16xi32>
        %swap3A_531 = arith.constant 3 : i32
        %swap3A_532 = arith.index_cast %swap3A_531 : i32 to index
        %swap3A_533 = arith.constant 0 : index
        %swap3A_534 = tpu.vector_load %arg10[%swap3A_532, %swap3A_533] {strides = array<i32>} : memref<8x64xi32, #tpu.memory_space<vmem>>, vector<1x16xi32>,
        %swap3A_535 = vector.shape_cast %swap3A_534 : vector<1x16xi32> to vector<16xi32>
        %swap3A_536 = vector.shape_cast %and3A_530 : vector<16xi32> to vector<1x16xi32>
        tpu.vector_store %arg10[%swap3A_532, %swap3A_533], %swap3A_536 {strides = array<i32>} : memref<8x64xi32, #tpu.memory_space<vmem>>, vector<1x16xi32>,
        %shift_right_arithmetic3A_537 = arith.constant 16 : i32
        %shift_right_arithmetic3A_538 = vector.broadcast %shift_right_arithmetic3A_537 : i32 to vector<16xi32>
        %shift_right_arithmetic3A_539 = arith.shrsi %get3A_527, %shift_right_arithmetic3A_538 : vector<16xi32>
        %swap3A_540 = arith.constant 7 : i32
        %swap3A_541 = arith.index_cast %swap3A_540 : i32 to index
        %swap3A_542 = arith.constant 0 : index
        %swap3A_543 = tpu.vector_load %arg10[%swap3A_541, %swap3A_542] {strides = array<i32>} : memref<8x64xi32, #tpu.memory_space<vmem>>, vector<1x16xi32>,
        %swap3A_544 = vector.shape_cast %swap3A_543 : vector<1x16xi32> to vector<16xi32>
        %swap3A_545 = vector.shape_cast %shift_right_arithmetic3A_539 : vector<16xi32> to vector<1x16xi32>
        tpu.vector_store %arg10[%swap3A_541, %swap3A_542], %swap3A_545 {strides = array<i32>} : memref<8x64xi32, #tpu.memory_space<vmem>>, vector<1x16xi32>,
        %add3A_546 = arith.constant 16 : i32
        %add3A_547 = arith.addi %mul3A_521, %add3A_546 : i32
        %get3A_548 = arith.index_cast %select_n3A : i32 to index
        %get3A_549 = arith.index_cast %add3A_547 : i32 to index
        %get3A_550 = tpu.vector_load %arg9[%get3A_548, %get3A_549] {strides = array<i32>} : memref<80x128xi32, #tpu.memory_space<vmem>>, vector<1x16xi32>,
        %get3A_551 = vector.shape_cast %get3A_550 : vector<1x16xi32> to vector<16xi32>
        %and3A_552 = arith.constant 65535 : i32
        %and3A_553 = vector.broadcast %and3A_552 : i32 to vector<16xi32>
        %and3A_554 = arith.andi %get3A_551, %and3A_553 : vector<16xi32>
        %swap3A_555 = arith.constant 3 : i32
        %swap3A_556 = arith.index_cast %swap3A_555 : i32 to index
        %swap3A_557 = arith.constant 16 : index
        %swap3A_558 = tpu.vector_load %arg10[%swap3A_556, %swap3A_557] {strides = array<i32>} : memref<8x64xi32, #tpu.memory_space<vmem>>, vector<1x16xi32>,
        %swap3A_559 = vector.shape_cast %swap3A_558 : vector<1x16xi32> to vector<16xi32>
        %swap3A_560 = vector.shape_cast %and3A_554 : vector<16xi32> to vector<1x16xi32>
        tpu.vector_store %arg10[%swap3A_556, %swap3A_557], %swap3A_560 {strides = array<i32>} : memref<8x64xi32, #tpu.memory_space<vmem>>, vector<1x16xi32>,
        %shift_right_arithmetic3A_561 = arith.constant 16 : i32
        %shift_right_arithmetic3A_562 = vector.broadcast %shift_right_arithmetic3A_561 : i32 to vector<16xi32>
        %shift_right_arithmetic3A_563 = arith.shrsi %get3A_551, %shift_right_arithmetic3A_562 : vector<16xi32>
        %swap3A_564 = arith.constant 7 : i32
        %swap3A_565 = arith.index_cast %swap3A_564 : i32 to index
        %swap3A_566 = arith.constant 16 : index
        %swap3A_567 = tpu.vector_load %arg10[%swap3A_565, %swap3A_566] {strides = array<i32>} : memref<8x64xi32, #tpu.memory_space<vmem>>, vector<1x16xi32>,
        %swap3A_568 = vector.shape_cast %swap3A_567 : vector<1x16xi32> to vector<16xi32>
        %swap3A_569 = vector.shape_cast %shift_right_arithmetic3A_563 : vector<16xi32> to vector<1x16xi32>
        tpu.vector_store %arg10[%swap3A_565, %swap3A_566], %swap3A_569 {strides = array<i32>} : memref<8x64xi32, #tpu.memory_space<vmem>>, vector<1x16xi32>,
        %add3A_570 = arith.constant 32 : i32
        %add3A_571 = arith.addi %mul3A_521, %add3A_570 : i32
        %get3A_572 = arith.index_cast %select_n3A : i32 to index
        %get3A_573 = arith.index_cast %add3A_571 : i32 to index
        %get3A_574 = tpu.vector_load %arg9[%get3A_572, %get3A_573] {strides = array<i32>} : memref<80x128xi32, #tpu.memory_space<vmem>>, vector<1x16xi32>,
        %get3A_575 = vector.shape_cast %get3A_574 : vector<1x16xi32> to vector<16xi32>
        %and3A_576 = arith.constant 65535 : i32
        %and3A_577 = vector.broadcast %and3A_576 : i32 to vector<16xi32>
        %and3A_578 = arith.andi %get3A_575, %and3A_577 : vector<16xi32>
        %swap3A_579 = arith.constant 3 : i32
        %swap3A_580 = arith.index_cast %swap3A_579 : i32 to index
        %swap3A_581 = arith.constant 32 : index
        %swap3A_582 = tpu.vector_load %arg10[%swap3A_580, %swap3A_581] {strides = array<i32>} : memref<8x64xi32, #tpu.memory_space<vmem>>, vector<1x16xi32>,
        %swap3A_583 = vector.shape_cast %swap3A_582 : vector<1x16xi32> to vector<16xi32>
        %swap3A_584 = vector.shape_cast %and3A_578 : vector<16xi32> to vector<1x16xi32>
        tpu.vector_store %arg10[%swap3A_580, %swap3A_581], %swap3A_584 {strides = array<i32>} : memref<8x64xi32, #tpu.memory_space<vmem>>, vector<1x16xi32>,
        %shift_right_arithmetic3A_585 = arith.constant 16 : i32
        %shift_right_arithmetic3A_586 = vector.broadcast %shift_right_arithmetic3A_585 : i32 to vector<16xi32>
        %shift_right_arithmetic3A_587 = arith.shrsi %get3A_575, %shift_right_arithmetic3A_586 : vector<16xi32>
        %swap3A_588 = arith.constant 7 : i32
        %swap3A_589 = arith.index_cast %swap3A_588 : i32 to index
        %swap3A_590 = arith.constant 32 : index
        %swap3A_591 = tpu.vector_load %arg10[%swap3A_589, %swap3A_590] {strides = array<i32>} : memref<8x64xi32, #tpu.memory_space<vmem>>, vector<1x16xi32>,
        %swap3A_592 = vector.shape_cast %swap3A_591 : vector<1x16xi32> to vector<16xi32>
        %swap3A_593 = vector.shape_cast %shift_right_arithmetic3A_587 : vector<16xi32> to vector<1x16xi32>
        tpu.vector_store %arg10[%swap3A_589, %swap3A_590], %swap3A_593 {strides = array<i32>} : memref<8x64xi32, #tpu.memory_space<vmem>>, vector<1x16xi32>,
        %add3A_594 = arith.constant 48 : i32
        %add3A_595 = arith.addi %mul3A_521, %add3A_594 : i32
        %get3A_596 = arith.index_cast %select_n3A : i32 to index
        %get3A_597 = arith.index_cast %add3A_595 : i32 to index
        %get3A_598 = tpu.vector_load %arg9[%get3A_596, %get3A_597] {strides = array<i32>} : memref<80x128xi32, #tpu.memory_space<vmem>>, vector<1x16xi32>,
        %get3A_599 = vector.shape_cast %get3A_598 : vector<1x16xi32> to vector<16xi32>
        %and3A_600 = arith.constant 65535 : i32
        %and3A_601 = vector.broadcast %and3A_600 : i32 to vector<16xi32>
        %and3A_602 = arith.andi %get3A_599, %and3A_601 : vector<16xi32>
        %swap3A_603 = arith.constant 3 : i32
        %swap3A_604 = arith.index_cast %swap3A_603 : i32 to index
        %swap3A_605 = arith.constant 48 : index
        %swap3A_606 = tpu.vector_load %arg10[%swap3A_604, %swap3A_605] {strides = array<i32>} : memref<8x64xi32, #tpu.memory_space<vmem>>, vector<1x16xi32>,
        %swap3A_607 = vector.shape_cast %swap3A_606 : vector<1x16xi32> to vector<16xi32>
        %swap3A_608 = vector.shape_cast %and3A_602 : vector<16xi32> to vector<1x16xi32>
        tpu.vector_store %arg10[%swap3A_604, %swap3A_605], %swap3A_608 {strides = array<i32>} : memref<8x64xi32, #tpu.memory_space<vmem>>, vector<1x16xi32>,
        %shift_right_arithmetic3A_609 = arith.constant 16 : i32
        %shift_right_arithmetic3A_610 = vector.broadcast %shift_right_arithmetic3A_609 : i32 to vector<16xi32>
        %shift_right_arithmetic3A_611 = arith.shrsi %get3A_599, %shift_right_arithmetic3A_610 : vector<16xi32>
        %swap3A_612 = arith.constant 7 : i32
        %swap3A_613 = arith.index_cast %swap3A_612 : i32 to index
        %swap3A_614 = arith.constant 48 : index
        %swap3A_615 = tpu.vector_load %arg10[%swap3A_613, %swap3A_614] {strides = array<i32>} : memref<8x64xi32, #tpu.memory_space<vmem>>, vector<1x16xi32>,
        %swap3A_616 = vector.shape_cast %swap3A_615 : vector<1x16xi32> to vector<16xi32>
        %swap3A_617 = vector.shape_cast %shift_right_arithmetic3A_611 : vector<16xi32> to vector<1x16xi32>
        tpu.vector_store %arg10[%swap3A_613, %swap3A_614], %swap3A_617 {strides = array<i32>} : memref<8x64xi32, #tpu.memory_space<vmem>>, vector<1x16xi32>,
        %dma_start3A_618 = arith.constant 3 : i32
        %dma_start3A_619 = arith.constant 0 : i32
        %dma_start3A_620 = tpu.memref_slice %arg10[%dma_start3A_618, %dma_start3A_619] : memref<8x64xi32, #tpu.memory_space<vmem>> -> memref<1x64xi32, #tpu.memory_space<vmem>>
        %dma_start3A_621 = tpu.memref_squeeze %dma_start3A_620 : memref<1x64xi32, #tpu.memory_space<vmem>> -> memref<64xi32, #tpu.memory_space<vmem>>
        %dma_start3A_622 = arith.constant 0 : i32
        %dma_start3A_623 = arith.constant 0 : i32
        %dma_start3A_624 = tpu.memref_slice %arg8[%dma_start3A_622, %dma_start3A_623] : memref<10112x128xbf16, #tpu.memory_space<vmem_shared>> -> memref<10112x128xbf16, #tpu.memory_space<vmem_shared>>
        tpu.enqueue_indirect_dma source(%dma_start3A_624 : memref<10112x128xbf16, #tpu.memory_space<vmem_shared>>) target(%arg14 : memref<64x128xbf16, #tpu.memory_space<vmem>>) offsets(%dma_start3A_621 : memref<64xi32, #tpu.memory_space<vmem>>) semaphore(%arg18 : memref<!tpu.dma_semaphore, #tpu.memory_space<semaphore_mem>>)
      } else {
      }
    }
    %scan3A_404 = arith.constant 40 : i32
    %barrier3A_405 = arith.constant 0 : index
    tpu.barrier barrier_id(%barrier3A_405)
    %eq3A_406 = arith.constant 0 : i32
    %eq3A_407 = arith.cmpi eq, %arg0, %eq3A_406 : i32
    %convert_element_type3A_408 = arith.extui %eq3A_407 : i1 to i32
    %cond3A_409 = arith.constant 0 : i32
    %cond3A_410 = arith.cmpi ne, %convert_element_type3A_408, %cond3A_409 : i32
    scf.if %cond3A_410 {
      %mul3A_416 = arith.constant 632 : i32
      %mul3A_417 = arith.muli %arg1, %mul3A_416 : i32
      %mul3A_418 = arith.constant 632 : i32
      %mul3A_419 = arith.muli %arg1, %mul3A_418 : i32
      "tpu.region"() ({
        %run_scoped3A = tpu.sem_alloc : memref<!tpu.dma_semaphore, #tpu.memory_space<semaphore_mem>>
        %dma_start3A_420 = arith.constant 0 : i32
        %dma_start3A_421 = tpu.memref_slice %arg5[%mul3A_419, %dma_start3A_420] : memref<10112x128xbf16, #tpu.memory_space<hbm>> -> memref<632x128xbf16, #tpu.memory_space<hbm>>
        %dma_start3A_422 = arith.constant 0 : i32
        %dma_start3A_423 = tpu.memref_slice %arg7[%mul3A_417, %dma_start3A_422] : memref<10112x128xbf16, #tpu.memory_space<vmem_shared>> -> memref<632x128xbf16, #tpu.memory_space<vmem_shared>>
        tpu.enqueue_dma source(%dma_start3A_423 : memref<632x128xbf16, #tpu.memory_space<vmem_shared>>) target(%dma_start3A_421 : memref<632x128xbf16, #tpu.memory_space<hbm>>) target_semaphore(%run_scoped3A : memref<!tpu.dma_semaphore, #tpu.memory_space<semaphore_mem>>)
        %dma_wait3A = arith.constant 0 : i32
        %dma_wait3A_424 = tpu.memref_slice %arg5[%mul3A_419, %dma_wait3A] : memref<10112x128xbf16, #tpu.memory_space<hbm>> -> memref<632x128xbf16, #tpu.memory_space<hbm>>
        %dma_wait3A_425 = arith.constant 0 : i32
        %dma_wait3A_426 = tpu.memref_slice %arg7[%mul3A_417, %dma_wait3A_425] : memref<10112x128xbf16, #tpu.memory_space<vmem_shared>> -> memref<632x128xbf16, #tpu.memory_space<vmem_shared>>
        tpu.wait_dma2 semaphore(%run_scoped3A : memref<!tpu.dma_semaphore, #tpu.memory_space<semaphore_mem>>) src(%dma_wait3A_426 : memref<632x128xbf16, #tpu.memory_space<vmem_shared>>) dst(%dma_wait3A_424 : memref<632x128xbf16, #tpu.memory_space<hbm>>)
        tpu.yield
      }) : () -> ()
    } else {
    }
    %eq3A_411 = arith.constant 1 : i32
    %eq3A_412 = arith.cmpi eq, %arg0, %eq3A_411 : i32
    %convert_element_type3A_413 = arith.extui %eq3A_412 : i1 to i32
    %cond3A_414 = arith.constant 0 : i32
    %cond3A_415 = arith.cmpi ne, %convert_element_type3A_413, %cond3A_414 : i32
    scf.if %cond3A_415 {
      %mul3A_416 = arith.constant 632 : i32
      %mul3A_417 = arith.muli %arg1, %mul3A_416 : i32
      %mul3A_418 = arith.constant 632 : i32
      %mul3A_419 = arith.muli %arg1, %mul3A_418 : i32
      "tpu.region"() ({
        %run_scoped3A = tpu.sem_alloc : memref<!tpu.dma_semaphore, #tpu.memory_space<semaphore_mem>>
        %dma_start3A_420 = arith.constant 0 : i32
        %dma_start3A_421 = tpu.memref_slice %arg6[%mul3A_419, %dma_start3A_420] : memref<10112x128xbf16, #tpu.memory_space<hbm>> -> memref<632x128xbf16, #tpu.memory_space<hbm>>
        %dma_start3A_422 = arith.constant 0 : i32
        %dma_start3A_423 = tpu.memref_slice %arg7[%mul3A_417, %dma_start3A_422] : memref<10112x128xbf16, #tpu.memory_space<vmem_shared>> -> memref<632x128xbf16, #tpu.memory_space<vmem_shared>>
        tpu.enqueue_dma source(%dma_start3A_423 : memref<632x128xbf16, #tpu.memory_space<vmem_shared>>) target(%dma_start3A_421 : memref<632x128xbf16, #tpu.memory_space<hbm>>) target_semaphore(%run_scoped3A : memref<!tpu.dma_semaphore, #tpu.memory_space<semaphore_mem>>)
        %dma_wait3A = arith.constant 0 : i32
        %dma_wait3A_424 = tpu.memref_slice %arg6[%mul3A_419, %dma_wait3A] : memref<10112x128xbf16, #tpu.memory_space<hbm>> -> memref<632x128xbf16, #tpu.memory_space<hbm>>
        %dma_wait3A_425 = arith.constant 0 : i32
        %dma_wait3A_426 = tpu.memref_slice %arg7[%mul3A_417, %dma_wait3A_425] : memref<10112x128xbf16, #tpu.memory_space<vmem_shared>> -> memref<632x128xbf16, #tpu.memory_space<vmem_shared>>
        tpu.wait_dma2 semaphore(%run_scoped3A : memref<!tpu.dma_semaphore, #tpu.memory_space<semaphore_mem>>) src(%dma_wait3A_426 : memref<632x128xbf16, #tpu.memory_space<vmem_shared>>) dst(%dma_wait3A_424 : memref<632x128xbf16, #tpu.memory_space<hbm>>)
        tpu.yield
      }) : () -> ()
    } else {
    }
    return
  }
}

module attributes {stable_mosaic.version = 14 : i64} {
  func.func @_lin_in_body(%arg0: i32, %arg1: memref<1000x128xf32, #tpu.memory_space<vmem>>, %arg2: memref<128x128xf32, #tpu.memory_space<vmem>>, %arg3: memref<1x128xf32, #tpu.memory_space<vmem>>, %arg4: memref<128x128xf32, #tpu.memory_space<vmem>>, %arg5: memref<1000x128xf32, #tpu.memory_space<vmem>>, %arg6: memref<1000x128xbf16, #tpu.memory_space<vmem>>) attributes {dimension_semantics = [#tpu.dimension_semantics<arbitrary>], iteration_bounds = array<i64: 10>, scalar_prefetch = 0 : i64, scratch_operands = 0 : i64, tpu.core_type = #tpu.core_type<tc>, window_params = [{transform_indices = @transform_0, window_bounds = array<i64: 1000, 128>}, {pipeline_mode = #tpu.pipeline_mode<synchronous>, transform_indices = @transform_1, window_bounds = array<i64: 128, 128>}, {pipeline_mode = #tpu.pipeline_mode<synchronous>, transform_indices = @transform_2, window_bounds = array<i64: 1, 128>}, {pipeline_mode = #tpu.pipeline_mode<synchronous>, transform_indices = @transform_3, window_bounds = array<i64: 128, 128>}, {transform_indices = @transform_4, window_bounds = array<i64: 1000, 128>}, {transform_indices = @transform_5, window_bounds = array<i64: 1000, 128>}]} {
    %get3A = arith.constant 0 : index
    %get3A_0 = arith.constant 0 : index
    %get3A_1 = vector.load %arg1[%get3A, %get3A_0] : memref<1000x128xf32, #tpu.memory_space<vmem>>, vector<1000x128xf32>
    %get3A_2 = arith.constant 0 : index
    %get3A_3 = arith.constant 0 : index
    %get3A_4 = vector.load %arg2[%get3A_2, %get3A_3] : memref<128x128xf32, #tpu.memory_space<vmem>>, vector<128x128xf32>
    %dot_general3A = arith.constant dense<0.000000e+00> : vector<1000x128xf32>
    %dot_general3A_5 = tpu.matmul %get3A_1, %get3A_4, %dot_general3A {dimension_numbers = #tpu.dot_dimension_numbers<[1], [0], [0], [1], [0, 0, 1, 1], [], []>, transpose_lhs_hint = false} : vector<1000x128xf32>, vector<128x128xf32>, vector<1000x128xf32> -> vector<1000x128xf32>
    %get3A_6 = arith.constant 0 : index
    %get3A_7 = arith.constant 0 : index
    %get3A_8 = vector.load %arg3[%get3A_6, %get3A_7] : memref<1x128xf32, #tpu.memory_space<vmem>>, vector<1x128xf32>
    %add3A = vector.broadcast %get3A_8 : vector<1x128xf32> to vector<1000x128xf32>
    %add3A_9 = arith.addf %dot_general3A_5, %add3A : vector<1000x128xf32>
    %swap3A = arith.constant 0 : index
    %swap3A_10 = arith.constant 0 : index
    %swap3A_11 = vector.load %arg5[%swap3A, %swap3A_10] : memref<1000x128xf32, #tpu.memory_space<vmem>>, vector<1000x128xf32>
    tpu.vector_store %arg5[%swap3A, %swap3A_10], %add3A_9 {strides = array<i32>} : memref<1000x128xf32, #tpu.memory_space<vmem>>, vector<1000x128xf32>,
    %get3A_12 = arith.constant 0 : index
    %get3A_13 = arith.constant 0 : index
    %get3A_14 = vector.load %arg4[%get3A_12, %get3A_13] : memref<128x128xf32, #tpu.memory_space<vmem>>, vector<128x128xf32>
    %dot_general3A_15 = arith.constant dense<0.000000e+00> : vector<1000x128xf32>
    %dot_general3A_16 = tpu.matmul %add3A_9, %get3A_14, %dot_general3A_15 {dimension_numbers = #tpu.dot_dimension_numbers<[1], [0], [0], [1], [0, 0, 1, 1], [], []>, transpose_lhs_hint = false} : vector<1000x128xf32>, vector<128x128xf32>, vector<1000x128xf32> -> vector<1000x128xf32>
    %convert_element_type3A = arith.truncf %dot_general3A_16 : vector<1000x128xf32> to vector<1000x128xbf16>
    %swap3A_17 = arith.constant 0 : index
    %swap3A_18 = arith.constant 0 : index
    %swap3A_19 = vector.load %arg6[%swap3A_17, %swap3A_18] : memref<1000x128xbf16, #tpu.memory_space<vmem>>, vector<1000x128xbf16>
    tpu.vector_store %arg6[%swap3A_17, %swap3A_18], %convert_element_type3A {strides = array<i32>} : memref<1000x128xbf16, #tpu.memory_space<vmem>>, vector<1000x128xbf16>,
    return
  }
  func.func @transform_0(%arg0: i32) -> (i32, i32) {
    %c0_i32 = arith.constant 0 : i32
    %c0_i32_0 = arith.constant 0 : i32
    return %arg0, %c0_i32 : i32, i32
  }
  func.func @transform_1(%arg0: i32) -> (i32, i32) {
    %c0_i32 = arith.constant 0 : i32
    %c0_i32_0 = arith.constant 0 : i32
    %c0_i32_1 = arith.constant 0 : i32
    return %c0_i32, %c0_i32_0 : i32, i32
  }
  func.func @transform_2(%arg0: i32) -> (i32, i32) {
    %c0_i32 = arith.constant 0 : i32
    %c0_i32_0 = arith.constant 0 : i32
    %c0_i32_1 = arith.constant 0 : i32
    return %c0_i32, %c0_i32_0 : i32, i32
  }
  func.func @transform_3(%arg0: i32) -> (i32, i32) {
    %c0_i32 = arith.constant 0 : i32
    %c0_i32_0 = arith.constant 0 : i32
    %c0_i32_1 = arith.constant 0 : i32
    return %c0_i32, %c0_i32_0 : i32, i32
  }
  func.func @transform_4(%arg0: i32) -> (i32, i32) {
    %c0_i32 = arith.constant 0 : i32
    %c0_i32_0 = arith.constant 0 : i32
    return %arg0, %c0_i32 : i32, i32
  }
  func.func @transform_5(%arg0: i32) -> (i32, i32) {
    %c0_i32 = arith.constant 0 : i32
    %c0_i32_0 = arith.constant 0 : i32
    return %arg0, %c0_i32 : i32, i32
  }
}

module attributes {stable_mosaic.version = 14 : i64} {
  func.func @_gh_body(%arg0: i32, %arg1: memref<1000x128xf32, #tpu.memory_space<vmem>>, %arg2: memref<128x384xf32, #tpu.memory_space<vmem>>, %arg3: memref<1x384xf32, #tpu.memory_space<vmem>>, %arg4: memref<1000x384xf32, #tpu.memory_space<vmem>>) attributes {dimension_semantics = [#tpu.dimension_semantics<arbitrary>], iteration_bounds = array<i64: 10>, scalar_prefetch = 0 : i64, scratch_operands = 0 : i64, tpu.core_type = #tpu.core_type<tc>, window_params = [{transform_indices = @transform_0, window_bounds = array<i64: 1000, 128>}, {pipeline_mode = #tpu.pipeline_mode<synchronous>, transform_indices = @transform_1, window_bounds = array<i64: 128, 384>}, {pipeline_mode = #tpu.pipeline_mode<synchronous>, transform_indices = @transform_2, window_bounds = array<i64: 1, 384>}, {transform_indices = @transform_3, window_bounds = array<i64: 1000, 384>}]} {
    %get3A = arith.constant 0 : index
    %get3A_0 = arith.constant 0 : index
    %get3A_1 = vector.load %arg1[%get3A, %get3A_0] : memref<1000x128xf32, #tpu.memory_space<vmem>>, vector<1000x128xf32>
    %get3A_2 = arith.constant 0 : index
    %get3A_3 = arith.constant 0 : index
    %get3A_4 = vector.load %arg2[%get3A_2, %get3A_3] : memref<128x384xf32, #tpu.memory_space<vmem>>, vector<128x384xf32>
    %dot_general3A = arith.constant dense<0.000000e+00> : vector<1000x384xf32>
    %dot_general3A_5 = tpu.matmul %get3A_1, %get3A_4, %dot_general3A {dimension_numbers = #tpu.dot_dimension_numbers<[1], [0], [0], [1], [0, 0, 1, 1], [], []>, transpose_lhs_hint = false} : vector<1000x128xf32>, vector<128x384xf32>, vector<1000x384xf32> -> vector<1000x384xf32>
    %get3A_6 = arith.constant 0 : index
    %get3A_7 = arith.constant 0 : index
    %get3A_8 = vector.load %arg3[%get3A_6, %get3A_7] : memref<1x384xf32, #tpu.memory_space<vmem>>, vector<1x384xf32>
    %add3A = vector.broadcast %get3A_8 : vector<1x384xf32> to vector<1000x384xf32>
    %add3A_9 = arith.addf %dot_general3A_5, %add3A : vector<1000x384xf32>
    %swap3A = arith.constant 0 : index
    %swap3A_10 = arith.constant 0 : index
    %swap3A_11 = vector.load %arg4[%swap3A, %swap3A_10] : memref<1000x384xf32, #tpu.memory_space<vmem>>, vector<1000x384xf32>
    tpu.vector_store %arg4[%swap3A, %swap3A_10], %add3A_9 {strides = array<i32>} : memref<1000x384xf32, #tpu.memory_space<vmem>>, vector<1000x384xf32>,
    return
  }
  func.func @transform_0(%arg0: i32) -> (i32, i32) {
    %c0_i32 = arith.constant 0 : i32
    %c0_i32_0 = arith.constant 0 : i32
    return %arg0, %c0_i32 : i32, i32
  }
  func.func @transform_1(%arg0: i32) -> (i32, i32) {
    %c0_i32 = arith.constant 0 : i32
    %c0_i32_0 = arith.constant 0 : i32
    %c0_i32_1 = arith.constant 0 : i32
    return %c0_i32, %c0_i32_0 : i32, i32
  }
  func.func @transform_2(%arg0: i32) -> (i32, i32) {
    %c0_i32 = arith.constant 0 : i32
    %c0_i32_0 = arith.constant 0 : i32
    %c0_i32_1 = arith.constant 0 : i32
    return %c0_i32, %c0_i32_0 : i32, i32
  }
  func.func @transform_3(%arg0: i32) -> (i32, i32) {
    %c0_i32 = arith.constant 0 : i32
    %c0_i32_0 = arith.constant 0 : i32
    return %arg0, %c0_i32 : i32, i32
  }
}

module attributes {stable_mosaic.version = 14 : i64} {
  func.func @_gru_body(%arg0: i32, %arg1: memref<1000x128xbf16, #tpu.memory_space<vmem>>, %arg2: memref<1000x128xbf16, #tpu.memory_space<vmem>>, %arg3: memref<1000x128xf32, #tpu.memory_space<vmem>>, %arg4: memref<1000x384xf32, #tpu.memory_space<vmem>>, %arg5: memref<128x384xf32, #tpu.memory_space<vmem>>, %arg6: memref<1x384xf32, #tpu.memory_space<vmem>>, %arg7: memref<128x128xf32, #tpu.memory_space<vmem>>, %arg8: memref<1x128xf32, #tpu.memory_space<vmem>>, %arg9: memref<1000x128xf32, #tpu.memory_space<vmem>>) attributes {dimension_semantics = [#tpu.dimension_semantics<arbitrary>], iteration_bounds = array<i64: 10>, scalar_prefetch = 0 : i64, scratch_operands = 0 : i64, tpu.core_type = #tpu.core_type<tc>, window_params = [{transform_indices = @transform_0, window_bounds = array<i64: 1000, 128>}, {transform_indices = @transform_1, window_bounds = array<i64: 1000, 128>}, {transform_indices = @transform_2, window_bounds = array<i64: 1000, 128>}, {transform_indices = @transform_3, window_bounds = array<i64: 1000, 384>}, {pipeline_mode = #tpu.pipeline_mode<synchronous>, transform_indices = @transform_4, window_bounds = array<i64: 128, 384>}, {pipeline_mode = #tpu.pipeline_mode<synchronous>, transform_indices = @transform_5, window_bounds = array<i64: 1, 384>}, {pipeline_mode = #tpu.pipeline_mode<synchronous>, transform_indices = @transform_6, window_bounds = array<i64: 128, 128>}, {pipeline_mode = #tpu.pipeline_mode<synchronous>, transform_indices = @transform_7, window_bounds = array<i64: 1, 128>}, {transform_indices = @transform_8, window_bounds = array<i64: 1000, 128>}]} {
    %get3A = arith.constant 0 : index
    %get3A_0 = arith.constant 0 : index
    %get3A_1 = vector.load %arg1[%get3A, %get3A_0] : memref<1000x128xbf16, #tpu.memory_space<vmem>>, vector<1000x128xbf16>
    %convert_element_type3A = arith.extf %get3A_1 : vector<1000x128xbf16> to vector<1000x128xf32>
    %get3A_2 = arith.constant 0 : index
    %get3A_3 = arith.constant 0 : index
    %get3A_4 = vector.load %arg2[%get3A_2, %get3A_3] : memref<1000x128xbf16, #tpu.memory_space<vmem>>, vector<1000x128xbf16>
    %convert_element_type3A_5 = arith.extf %get3A_4 : vector<1000x128xbf16> to vector<1000x128xf32>
    %add3A = arith.addf %convert_element_type3A, %convert_element_type3A_5 : vector<1000x128xf32>
    %get3A_6 = arith.constant 0 : index
    %get3A_7 = arith.constant 0 : index
    %get3A_8 = vector.load %arg3[%get3A_6, %get3A_7] : memref<1000x128xf32, #tpu.memory_space<vmem>>, vector<1000x128xf32>
    %get3A_9 = arith.constant 0 : index
    %get3A_10 = arith.constant 0 : index
    %get3A_11 = vector.load %arg5[%get3A_9, %get3A_10] : memref<128x384xf32, #tpu.memory_space<vmem>>, vector<128x384xf32>
    %dot_general3A = arith.constant dense<0.000000e+00> : vector<1000x384xf32>
    %dot_general3A_12 = tpu.matmul %add3A, %get3A_11, %dot_general3A {dimension_numbers = #tpu.dot_dimension_numbers<[1], [0], [0], [1], [0, 0, 1, 1], [], []>, transpose_lhs_hint = false} : vector<1000x128xf32>, vector<128x384xf32>, vector<1000x384xf32> -> vector<1000x384xf32>
    %get3A_13 = arith.constant 0 : index
    %get3A_14 = arith.constant 0 : index
    %get3A_15 = vector.load %arg6[%get3A_13, %get3A_14] : memref<1x384xf32, #tpu.memory_space<vmem>>, vector<1x384xf32>
    %add3A_16 = vector.broadcast %get3A_15 : vector<1x384xf32> to vector<1000x384xf32>
    %add3A_17 = arith.addf %dot_general3A_12, %add3A_16 : vector<1000x384xf32>
    %get3A_18 = arith.constant 0 : index
    %get3A_19 = arith.constant 0 : index
    %get3A_20 = vector.load %arg4[%get3A_18, %get3A_19] : memref<1000x384xf32, #tpu.memory_space<vmem>>, vector<1000x384xf32>
    %slice3A = vector.extract_strided_slice %add3A_17 {offsets = [0, 0], sizes = [1000, 128], strides = [1, 1]} : vector<1000x384xf32> to vector<1000x128xf32>
    %slice3A_21 = vector.extract_strided_slice %get3A_20 {offsets = [0, 0], sizes = [1000, 128], strides = [1, 1]} : vector<1000x384xf32> to vector<1000x128xf32>
    %add3A_22 = arith.addf %slice3A, %slice3A_21 : vector<1000x128xf32>
    %logistic3A = arith.negf %add3A_22 : vector<1000x128xf32>
    %logistic3A_23 = math.exp %logistic3A : vector<1000x128xf32>
    %logistic3A_24 = arith.constant 1.000000e+00 : f32
    %logistic3A_25 = vector.broadcast %logistic3A_24 : f32 to vector<1000x128xf32>
    %logistic3A_26 = arith.addf %logistic3A_25, %logistic3A_23 : vector<1000x128xf32>
    %logistic3A_27 = arith.divf %logistic3A_25, %logistic3A_26 : vector<1000x128xf32>
    %slice3A_28 = vector.extract_strided_slice %add3A_17 {offsets = [0, 128], sizes = [1000, 128], strides = [1, 1]} : vector<1000x384xf32> to vector<1000x128xf32>
    %slice3A_29 = vector.extract_strided_slice %get3A_20 {offsets = [0, 128], sizes = [1000, 128], strides = [1, 1]} : vector<1000x384xf32> to vector<1000x128xf32>
    %add3A_30 = arith.addf %slice3A_28, %slice3A_29 : vector<1000x128xf32>
    %logistic3A_31 = arith.negf %add3A_30 : vector<1000x128xf32>
    %logistic3A_32 = math.exp %logistic3A_31 : vector<1000x128xf32>
    %logistic3A_33 = arith.constant 1.000000e+00 : f32
    %logistic3A_34 = vector.broadcast %logistic3A_33 : f32 to vector<1000x128xf32>
    %logistic3A_35 = arith.addf %logistic3A_34, %logistic3A_32 : vector<1000x128xf32>
    %logistic3A_36 = arith.divf %logistic3A_34, %logistic3A_35 : vector<1000x128xf32>
    %slice3A_37 = vector.extract_strided_slice %add3A_17 {offsets = [0, 256], sizes = [1000, 128], strides = [1, 1]} : vector<1000x384xf32> to vector<1000x128xf32>
    %slice3A_38 = vector.extract_strided_slice %get3A_20 {offsets = [0, 256], sizes = [1000, 128], strides = [1, 1]} : vector<1000x384xf32> to vector<1000x128xf32>
    %mul3A = arith.mulf %logistic3A_27, %slice3A_38 : vector<1000x128xf32>
    %add3A_39 = arith.addf %slice3A_37, %mul3A : vector<1000x128xf32>
    %tanh3A = math.tanh %add3A_39 : vector<1000x128xf32>
    %sub3A = arith.constant 1.000000e+00 : f32
    %sub3A_40 = vector.broadcast %sub3A : f32 to vector<1000x128xf32>
    %sub3A_41 = arith.subf %sub3A_40, %logistic3A_36 : vector<1000x128xf32>
    %mul3A_42 = arith.mulf %sub3A_41, %tanh3A : vector<1000x128xf32>
    %mul3A_43 = arith.mulf %logistic3A_36, %get3A_8 : vector<1000x128xf32>
    %add3A_44 = arith.addf %mul3A_42, %mul3A_43 : vector<1000x128xf32>
    %get3A_45 = arith.constant 0 : index
    %get3A_46 = arith.constant 0 : index
    %get3A_47 = vector.load %arg7[%get3A_45, %get3A_46] : memref<128x128xf32, #tpu.memory_space<vmem>>, vector<128x128xf32>
    %dot_general3A_48 = arith.constant dense<0.000000e+00> : vector<1000x128xf32>
    %dot_general3A_49 = tpu.matmul %add3A_44, %get3A_47, %dot_general3A_48 {dimension_numbers = #tpu.dot_dimension_numbers<[1], [0], [0], [1], [0, 0, 1, 1], [], []>, transpose_lhs_hint = false} : vector<1000x128xf32>, vector<128x128xf32>, vector<1000x128xf32> -> vector<1000x128xf32>
    %get3A_50 = arith.constant 0 : index
    %get3A_51 = arith.constant 0 : index
    %get3A_52 = vector.load %arg8[%get3A_50, %get3A_51] : memref<1x128xf32, #tpu.memory_space<vmem>>, vector<1x128xf32>
    %add3A_53 = vector.broadcast %get3A_52 : vector<1x128xf32> to vector<1000x128xf32>
    %add3A_54 = arith.addf %dot_general3A_49, %add3A_53 : vector<1000x128xf32>
    %swap3A = arith.constant 0 : index
    %swap3A_55 = arith.constant 0 : index
    %swap3A_56 = vector.load %arg9[%swap3A, %swap3A_55] : memref<1000x128xf32, #tpu.memory_space<vmem>>, vector<1000x128xf32>
    tpu.vector_store %arg9[%swap3A, %swap3A_55], %add3A_54 {strides = array<i32>} : memref<1000x128xf32, #tpu.memory_space<vmem>>, vector<1000x128xf32>,
    return
  }
  func.func @transform_0(%arg0: i32) -> (i32, i32) {
    %c0_i32 = arith.constant 0 : i32
    %c0_i32_0 = arith.constant 0 : i32
    return %arg0, %c0_i32 : i32, i32
  }
  func.func @transform_1(%arg0: i32) -> (i32, i32) {
    %c0_i32 = arith.constant 0 : i32
    %c0_i32_0 = arith.constant 0 : i32
    return %arg0, %c0_i32 : i32, i32
  }
  func.func @transform_2(%arg0: i32) -> (i32, i32) {
    %c0_i32 = arith.constant 0 : i32
    %c0_i32_0 = arith.constant 0 : i32
    return %arg0, %c0_i32 : i32, i32
  }
  func.func @transform_3(%arg0: i32) -> (i32, i32) {
    %c0_i32 = arith.constant 0 : i32
    %c0_i32_0 = arith.constant 0 : i32
    return %arg0, %c0_i32 : i32, i32
  }
  func.func @transform_4(%arg0: i32) -> (i32, i32) {
    %c0_i32 = arith.constant 0 : i32
    %c0_i32_0 = arith.constant 0 : i32
    %c0_i32_1 = arith.constant 0 : i32
    return %c0_i32, %c0_i32_0 : i32, i32
  }
  func.func @transform_5(%arg0: i32) -> (i32, i32) {
    %c0_i32 = arith.constant 0 : i32
    %c0_i32_0 = arith.constant 0 : i32
    %c0_i32_1 = arith.constant 0 : i32
    return %c0_i32, %c0_i32_0 : i32, i32
  }
  func.func @transform_6(%arg0: i32) -> (i32, i32) {
    %c0_i32 = arith.constant 0 : i32
    %c0_i32_0 = arith.constant 0 : i32
    %c0_i32_1 = arith.constant 0 : i32
    return %c0_i32, %c0_i32_0 : i32, i32
  }
  func.func @transform_7(%arg0: i32) -> (i32, i32) {
    %c0_i32 = arith.constant 0 : i32
    %c0_i32_0 = arith.constant 0 : i32
    %c0_i32_1 = arith.constant 0 : i32
    return %c0_i32, %c0_i32_0 : i32, i32
  }
  func.func @transform_8(%arg0: i32) -> (i32, i32) {
    %c0_i32 = arith.constant 0 : i32
    %c0_i32_0 = arith.constant 0 : i32
    return %arg0, %c0_i32 : i32, i32
  }
}

</mosaic_0001>

<sc_bundles>
// kernel: kernel.6.cloned.1.call-start
scs
__scs_entry_jumppad:
0x0: {  	(pc) =	sbr.rel $0x88, $3  }
0x1: {  	(tag) =	ssettag $0x0;
	lr =	simm.s32 $0x1  }
0x2: {  	[smem:$0x3F96] =	sst lr;
	_ =	strace $0xD0000000  }
0x3: {  	_ = 	snop  }
0x4: {  	_ = 	snop  }
0x5: {  	_ = 	snop  }
0x6: {  	_ = 	snop  }
0x7: {  	_ = 	snop  }
__scs_overlays_trampoline_lowered:
0x8: {  	[smem:$0x3FA5] =	sst s0  }
0x9: {  	[smem:$0x3FA6] =	sst s1  }
0xa: {  	[smem:$0x3FA7] =	sst s2  }
0xb: {  	[smem:$0x3FA8] =	sst s3  }
0xc: {  	[smem:$0x3FA9] =	sst s4  }
0xd: {  	[smem:$0x3FAA] =	sst s5  }
0xe: {  	[smem:$0x3FAB] =	sst s6  }
0xf: {  	[smem:$0x3FAC] =	sst s7  }
0x10: {  	[smem:$0x3FAD] =	sst s8  }
0x11: {  	[smem:$0x3FAE] =	sst s9;
	s0 =	simm.s32 @!p0 $0x0  }
0x12: {  	s1 =	sld [smem:$0x3F94];
	s0 =	simm.s32 @p0 $0x1  }
0x13: {  	[smem:$0x3FAF] =	sst s0;
	s0 =	simm.s32 @!p1 $0x0  }
0x14: {  	s2 =	sld [smem:$0x3F93];
	s0 =	simm.s32 @p1 $0x1  }
0x15: {  	[smem:$0x3FB0] =	sst s0;
	s0 =	simm.s32 @!p2 $0x0  }
0x16: {  	s3 =	sld [smem:$0x3FDB];
	s0 =	simm.s32 @p2 $0x1  }
0x17: {  	s4 =	simm.s32 $0x1BF5;
	[smem:$0x3FB2] =	sst s0  }
0x18: {  	s0 =	sld [smem:$0x3F95];
	_ =	swait.ge [sflag:s4], $0x0  }
0x19: {  	s7 =	sld [smem:$0x3F96]  }
0x1a: {  	s8 =	sadd.s32 $0xFFFFE003, lr  }
0x1b: {  	s9 =	sadd.s32 $0xFFFFFEF7, lr;
	s5 =	simm.s32 $0xFFFFFFFF;
	p2 =	slt.u32 s8, $0xFFFFF086  }
0x1c: {  	p1 =	slt.u32 s9, $0xF7A;
	s5 =	simm.s32 @!p2 $0x0  }
0x1d: {  	s5 =	simm.s32 @p1 $0x1;
	p0 =	seq.s32 s7, s2  }
0x1e: {  	s7 =	smul.u32 @!p0 $0xF7A, s2;
	p2 =	seq.s32 @!p0 s5, $0x0  }
0x1f: {  	s9 =	smul.u32 $0xF7A, s1;
	s8 =	simm.s32 @!p0 $0x1BF5;
	p2 =	por !p2, p0  }
0x20: {  	[sflag:s8] =	ssyncset.s32 @!p0 $0xFFFFF086;
	s6 =	sadd.s32 @!p0 s3, s7;
	s7 =	simm.s32 @!p0 $0x108  }
0x21: {  	s3 =	sadd.s32 s3, s9;
	s6 =	sadd.s32 @!p0 $0x88, s6;
	s7 =	simm.s32 @p2 $0x1082  }
0x22: {  	[simem:s7], [sflag:s8] =	dma.local @!p0 [hbm:s6], $0xF7A  }
0x23: {  	s9 =	sor.u32 $0xD0000000, s2;
	s6 =	simm.s32 $0x108;
	_ =	swait.ge @!p0 [sflag:s8], $0x0  }
0x24: {  	s3 =	sadd.s32 $0x88, s3;
	s6 =	simm.s32 @!p1 $0x1082;
	[sflag:s4] =	ssyncset.s32 $0xFFFFF086  }
0x25: {  	[simem:s6], [sflag:s4] =	dma.local [hbm:s3], $0xF7A  }
0x26: {  	[smem:$0x3F96] =	sst s1;
	(tag) =	ssettag s2;
	_ =	strace s9  }
0x27: {  	s1 =	sld [smem:$0x3FA6]  }
0x28: {  	s2 =	sld [smem:$0x3FA7]  }
0x29: {  	s4 =	sld [smem:$0x3FA9]  }
0x2a: {  	p0 =	seq.s32 s5, $0x0;
	s5 =	sld [smem:$0x3FAA]  }
0x2b: {  	s6 =	sld [smem:$0x3FAB]  }
0x2c: {  	s7 =	sld [smem:$0x3FAC]  }
0x2d: {  	s3 =	simm.s32 $0x108;
	s8 =	sld [smem:$0x3FAD]  }
0x2e: {  	s3 =	simm.s32 @!p0 $0x1082;
	s9 =	sld [smem:$0x3FAE]  }
0x2f: {  	lr =	sadd.s32 s0, s3;
	s0 =	sld [smem:$0x3FA5]  }
0x30: {  	s3 =	sld [smem:$0x3FA8]  }
0x31: {  	[smem:$0x3FB1] =	sst s10  }
0x32: {  	s10 =	sld [smem:$0x3FAF];
	_ =	sdelay $0x3  }
0x33: {  	p0 =	seq.s32 s10, $0x1;
	s10 =	sld [smem:$0x3FB1];
	_ =	sdelay $0x3  }
0x34: {  	[smem:$0x3FB1] =	sst s10  }
0x35: {  	s10 =	sld [smem:$0x3FB0];
	_ =	sdelay $0x3  }
0x36: {  	p1 =	seq.s32 s10, $0x1;
	s10 =	sld [smem:$0x3FB1];
	_ =	sdelay $0x3  }
0x37: {  	[smem:$0x3FB1] =	sst s10  }
0x38: {  	s10 =	sld [smem:$0x3FB2]  }
0x39: {  	_ = 	snop;
	(pc) =	sbr.ind lr, $3  }
0x3a: {  	_ = 	snop  }
0x3b: {  	_ = 	snop  }
0x3c: {  	p2 =	seq.s32 s10, $0x1;
	s10 =	sld [smem:$0x3FB1]  }
0x3d: {  	_ =	shalt  }
0x3e: {  	_ =	shalt  }
0x3f: {  	_ =	shalt  }
0x40: {  	_ =	shalt  }
0x41: {  	_ =	shalt  }
0x42: {  	_ =	shalt  }
0x43: {  	_ =	shalt  }
0x44: {  	_ =	shalt  }
0x45: {  	_ =	shalt  }
0x46: {  	_ =	shalt  }
0x47: {  	_ =	shalt  }
0x48: {  	_ =	shalt  }
0x49: {  	_ =	shalt  }
0x4a: {  	_ =	shalt  }
0x4b: {  	_ =	shalt  }
0x4c: {  	_ =	shalt  }
0x4d: {  	_ =	shalt  }
0x4e: {  	_ =	shalt  }
0x4f: {  	_ =	shalt  }
0x50: {  	_ =	shalt  }
0x51: {  	_ =	shalt  }
0x52: {  	_ =	shalt  }
0x53: {  	_ =	shalt  }
0x54: {  	_ =	shalt  }
0x55: {  	_ =	shalt  }
0x56: {  	_ =	shalt  }
0x57: {  	_ =	shalt  }
0x58: {  	_ =	shalt  }
0x59: {  	_ =	shalt  }
0x5a: {  	_ =	shalt  }
0x5b: {  	_ =	shalt  }
0x5c: {  	_ =	shalt  }
0x5d: {  	_ =	shalt  }
0x5e: {  	_ =	shalt  }
0x5f: {  	_ =	shalt  }
0x60: {  	_ =	shalt  }
0x61: {  	_ =	shalt  }
0x62: {  	_ =	shalt  }
0x63: {  	_ =	shalt  }
0x64: {  	_ =	shalt  }
0x65: {  	_ =	shalt  }
0x66: {  	_ =	shalt  }
0x67: {  	_ =	shalt  }
0x68: {  	_ =	shalt  }
0x69: {  	_ =	shalt  }
0x6a: {  	_ =	shalt  }
0x6b: {  	_ =	shalt  }
0x6c: {  	_ =	shalt  }
0x6d: {  	_ =	shalt  }
0x6e: {  	_ =	shalt  }
0x6f: {  	_ =	shalt  }
0x70: {  	_ =	shalt  }
0x71: {  	_ =	shalt  }
0x72: {  	_ =	shalt  }
0x73: {  	_ =	shalt  }
0x74: {  	_ =	shalt  }
0x75: {  	_ =	shalt  }
0x76: {  	_ =	shalt  }
0x77: {  	_ =	shalt  }
0x78: {  	_ =	shalt  }
0x79: {  	_ =	shalt  }
0x7a: {  	_ =	shalt  }
0x7b: {  	_ =	shalt  }
0x7c: {  	_ =	shalt  }
0x7d: {  	_ =	shalt  }
0x7e: {  	_ =	shalt  }
0x7f: {  	_ =	shalt  }
0x80: {  	_ =	shalt  }
0x81: {  	_ =	shalt  }
0x82: {  	_ =	shalt  }
0x83: {  	_ =	shalt  }
0x84: {  	_ =	shalt  }
0x85: {  	_ =	shalt  }
0x86: {  	_ =	shalt  }
0x87: {  	_ =	shalt  }
.Lfunc_end0:
.L_simem_size_0:
called_computation_lowered:
.L_overlay_start_0:
0x88: {  	s2 =	sld [smem:$0x3FD9]  }
0x89: {  	s3 =	sld [smem:$0x3FFE];
	_ =	sdelay $0x1  }
0x8a: {  	s1 =	srdreg.scid  }
0x8b: {  	s0 =	sand.u32 $0x1, s1  }
0x8c: {  	s17 =	sshll.u32 s0, $0xA;
	s2 =	sadd.s32 s3, s2  }
0x8d: {  	s2 =	sadd.s32 s2, s17  }
0x8e: {  	[smem:$0x3FBD] =	sst s2  }
0x8f: {  	_ = 	snop  }
0x90: {  	s2 =	sld [smem:$0x3FD0];
	(tm) =	ssettm $0x1  }
0x91: {  	s18 =	sld [smem:$0x3FFB];
	_ =	sdelay $0x3  }
0x92: {  	_ =	strace s18  }
0x93: {  	s3 =	sld [smem:$0x3FFC];
	_ =	sdelay $0x3  }
0x94: {  	_ =	strace s3  }
0x95: {  	s3 =	sld [smem:$0x3FFD];
	_ =	sdelay $0x3  }
0x96: {  	_ =	strace s3  }
0x97: {  	_ =	strace $0x8FFFFFFF  }
0x98: {  	s19 =	sld [smem:$0x3FDB];
	_ =	sdelay $0x1  }
0x99: {  	s4 =	simm.s32 $_scs_section_size  }
0x9a: {  	s5 =	simm.s32 $_size__tile_overlayer_lowered;
	s6 =	simm.s32 $_tile_overlayer_lowered  }
0x9b: {  	s22 =	simm.s32 $0x1BFF;
	s21 =	sshll.u32 s6, $0x1;
	s3 =	sadd.s32 s4, s19  }
0x9c: {  	s7 =	simm.s32 $0x0;
	s20 =	sshll.u32 s5, $0x1;
	s5 =	sadd.s32 s21, s3  }
0x9d: {  	[timem:s7], [sflag:s22] =	dma.local [hbm:s5], s20  }
0x9e: {  	_ =	swait.ge [sflag:s22], s20  }
0x9f: {  	s4 =	ssub.s32 $0x0, s20;
	[sflag:s22] =	ssyncset.done $0x0  }
0xa0: {  	[sflag:s22] =	ssyncadd.s32 s4;
	_ =	sdelay $0x1  }
0xa1: {  	s23 =	simm.s32 $0x1B8B  }
0xa2: {  	_ =	swait.ge [sflag:s23], $0x1  }
0xa3: {  	[sflag:s23] =	ssyncset.done $0x0  }
0xa4: {  	s25 =	simm.s32 $0x1B8E;
	s24 =	sld [smem:$0x3FFE];
	[sflag:s23] =	ssyncadd.s32 $0xFFFFFFFF  }
0xa5: {  	s26 =	simm.s32 $execute0_lowered;
	[smem:$0x3FD2] =	sst s25  }
0xa6: {  	s5 =	sshll.u32 s26, $0x1;
	_ =	strace $0x80000046;
	[dreg:$0x1] =	wrdreg $0xFFFFFFFF  }
0xa7: {  	s28 =	simm.s32 $_size_execute0_lowered;
	s3 =	sadd.s32 s3, s5;
	[dreg:$0x0] =	wrdreg $0x0  }
0xa8: {  	s5 =	sshll.u32 s28, $0x1;
	[dreg:$0x2] =	wrdreg s3  }
0xa9: {  	[dreg:$0x3] =	wrdreg s5  }
0xaa: {  	[dreg:$0x4] =	wrdreg $0xC0  }
0xab: {  	_ =	task [dreg:s7], $0x5FFFF  }
0xac: {  	[dreg:$0x1] =	wrdreg $0xFFFFFFFF  }
0xad: {  	[dreg:$0x0] =	wrdreg $0x60  }
0xae: {  	[dreg:$0x2] =	wrdreg s24  }
0xaf: {  	[dreg:$0x3] =	wrdreg s2  }
0xb0: {  	[dreg:$0x4] =	wrdreg $0x0  }
0xb1: {  	[dreg:$0x5] =	wrdreg $0x9E000  }
0xb2: {  	[dreg:$0x6] =	wrdreg $0x9  }
0xb3: {  	_ =	task.clear_ibuf [dreg:s7], $0x7FFFF;
	_ =	strace $0x90000046  }
0xb4: {  	s29 =	simm.s32 $0x9;
	_ =	strace $0x80000048  }
0xb5: {  	_ =	swait.ge [sflag:s29], $0x1  }
0xb6: {  	[sflag:s29] =	ssyncadd.s32 $0xFFFFFFFF  }
0xb7: {  	_ =	strace $0x90000048  }
0xb8: {  	_ =	sfence  }
0xb9: {  	s30 =	sld [smem:$0x0];
	_ =	sdelay $0x2  }
0xba: {  	s31 =	sshll.u32 s1, $0xD;
	s1 =	sshrl.u32 s1, $0x2  }
0xbb: {  	s3 =	sand.u32 $0x4000, s31;
	s1 =	sadd.s32 s1, s30  }
0xbc: {  	s0 =	sor.u32 s3, s0;
	s1 =	sshll.u32 s1, $0x11  }
0xbd: {  	s0 =	sor.u32 s1, s0  }
0xbe: {  	s0 =	sadd.s32 $0x8F2B, s0  }
0xbf: {  	[sflag:s0] =	ssyncadd.remote.s32 $0x1  }
0xc0: {  	_ =	sfence.sel $0xFFFF  }
0xc1: {  	[dreg:$0x0] =	wrdreg $0xFFFFFFFF;
	(pc) =	sbr.abs _section_cstart, $3  }
0xc2: {  	[dreg:$0x1] =	wrdreg $0xFFFFFFFF  }
0xc3: {  	_ =	task.clear_ibuf [dreg:s7], $0x2FFFF;
	_ =	strace $0x9FFFFFFF  }
0xc4: {  	(tm) =	ssettm $0x7FFFFFFF  }
0xc5: {  	_ =	shalt  }
tec
execute0_lowered:
.L_overlay_start_1:
0x0: {  	(tag) =	ssettag $0x1  }
0x1: {  	s0 =	rddreg [dreg:$0x0]  }
0x2: {  	s2 =	rddreg [dreg:$0x1]  }
0x3: {  	s1 =	rddreg [dreg:$0x2];
	s4 =	srdreg.scid  }
0x4: {  	s3 =	rddreg [dreg:$0x3];
	s16 =	stileid.u32  }
0x5: {  	s7 =	simm.s32 $0x0;
	s17 =	simm.s32 $0x40;
	s19 =	simm.s32 $0x16600  }
0x6: {  	s22 =	simm.s32 $0x16480;
	s23 =	simm.s32 $0x18600;
	s28 =	simm.s32 $0x16500  }
0x7: {  	s29 =	simm.s32 $0x3;
	s30 =	simm.s32 $0x16580;
	s31 =	simm.s32 $0x4  }
0x8: {  	s4 =	sand.u32 $0x1, s4;
	s6 =	smul.u32 $0x13C00, s16;
	[smem:$0x7FF] =	sst s7  }
0x9: {  	s10 =	sadd.s32 $0x20C00, s0;
	s26 =	sshll.u32 s16, $0x6;
	s14 =	sadd.s32 $0x94200, s3  }
0xa: {  	s5 =	sshll.u32 s4, $0x4;
	_ =	strace $0x80000047;
	s8 =	ssub.s32 $0x2, s4  }
0xb: {  	p0 =	seq.s32 s4, $0x1;
	s5 =	sor.u32 s16, s5;
	s11 =	sshrl.u32 s6, $0x4  }
0xc: {  	s12 =	sshrl.u32 s8, $0x1;
	s25 =	sshrl.u32 s6, $0x1;
	s6 =	sor.u32 $0x1C05, s26  }
0xd: {  	s2 =	smov.u32 @p0 s10;
	p0 =	seq.s32 s16, $0xF;
	s26 =	simm.s32 $0x1  }
0xe: {  	s5 =	smul.u32 $0x500, s5;
	s24 =	sadd.s32 s11, s0;
	s12 =	ssub.s32 s8, s12  }
0xf: {  	s13 =	sadd.s32 s25, s1;
	s15 =	sadd.s32 s25, s3;
	s8 =	sadd.s32 $0x15A40, s0  }
.Ltmp0:
0x10: {  	s11 =	sadd.s32 s2, s11;
	s14 =	sshrl.u32 @p0 s14, $0x3;
	(pc) =	sbr.rel .LBB2_1-.Ltmp0, $4  }
0x11: {  	s25 =	simm.s32 $0x19600;
	s2 =	simm.s32 $0x0;
	s7 =	sadd.s32 $0x3200, s24  }
0x12: {  	s10 =	smax.u32 s12, $0x1;
	s12 =	sshrl.u32 s13, $0x3;
	s13 =	simm.s32 $0x5  }
0x13: {  	s15 =	sshrl.u32 @!p0 s15, $0x3;
	s24 =	simm.s32 $0x164C0;
	s9 =	sadd.s32 s5, s0  }
0x14: {  	s5 =	sadd.s32 $0x1E00, s0;
	s0 =	simm.s32 $0x165C0;
	s9 =	sadd.s32 $0x16C00, s9  }
.LBB2_4:
0x15: {  	_ =	swait.ge [sflag:s31], $0x1000  }
0x16: {  	[sflag:s31] =	ssyncset.done $0x0  }
0x17: {  	[sflag:s31] =	ssyncadd.s32 $0xFFFFF000  }
0x18: {  	[spmem:s1] =	stream.indirect.scatter.add.bf16 [tilespmem:s25], [sflag:$0x5], $0x40, s0, s17, $0xb8;
	[tilespmem:$0x1A600] =	vst v63  }
0x19: {  	_ =	swait.ge [sflag:s13], $0x1000  }
0x1a: {  	s2 =	sadd.s32 $0x1, s2;
	[sflag:s13] =	ssyncset.done $0x0  }
0x1b: {  	p1 =	sne.s32 s2, s10;
	[sflag:s13] =	ssyncadd.s32 $0xFFFFF000  }
.Ltmp1:
0x1c: {  	[bflag:$0x0] =	sbarrier.arrive $0xFFFF;
	(pc) =	sbr.rel @!p1 .LBB2_5-.Ltmp1, $4  }
0x1d: {  	[hbm:s11], [sflag:s6] =	dma.local [spmem:s12], $0x13C0  }
0x1e: {  	_ =	swait.ge [sflag:s13], $0x13C0  }
0x1f: {  	[sflag:s13] =	ssyncset.done $0x0  }
0x20: {  	[sflag:s13] =	ssyncadd.s32 $0xFFFFEC40  }
.LBB2_1:
0x21: {  	[spmem:s12], [sflag:s6] =	dma.local [hbm:s5], $0x13C0  }
0x22: {  	_ =	swait.ge [sflag:s13], $0x13C0  }
0x23: {  	[sflag:s13] =	ssyncset.done $0x0  }
0x24: {  	s4 =	simm.s32 @p0 $0x5;
	[sflag:s13] =	ssyncadd.s32 $0xFFFFEC40  }
0x25: {  	[spmem:s14], [sflag:s6] =	dma.local @p0 [hbm:s8], $0x1040  }
0x26: {  	_ =	swait.ge @p0 [sflag:s4], $0x1040  }
0x27: {  	[sflag:s4] =	ssyncset.done @p0 $0x0  }
0x28: {  	[sflag:s4] =	ssyncadd.s32 @p0 $0xFFFFEFC0;
	s4 =	simm.s32 @!p0 $0x5  }
0x29: {  	[spmem:s15], [sflag:s6] =	dma.local @!p0 [hbm:s7], $0x13C0  }
0x2a: {  	_ =	swait.ge @!p0 [sflag:s4], $0x13C0  }
0x2b: {  	[sflag:s4] =	ssyncset.done @!p0 $0x0  }
0x2c: {  	s21 =	simm.s32 $0x0;
	s16 =	simm.s32 $0x13C00;
	[sflag:s4] =	ssyncadd.s32 @!p0 $0xFFFFEC40  }
0x2d: {  	[tilespmem:s16], [sflag:$0x5] =	stream.linear.gather [hbm4b:s9+s21], $0x2800, $0x38;
	[tilespmem:$0x1A600] =	vst v63  }
0x2e: {  	_ =	swait.ge [sflag:s13], $0x2800  }
0x2f: {  	[sflag:s13] =	ssyncset.done $0x0  }
0x30: {  	[sflag:s13] =	ssyncadd.s32 $0xFFFFD800  }
0x31: {  	[bflag:$0x0] =	sbarrier.arrive $0xFFFF  }
0x32: {  	v0 =	vld [tilespmem:$0x13C00];
	_ =	sdelay $0x1  }
0x33: {  	v1 =	vld [tilespmem:$0x13C10];
	_ =	sdelay $0x1  }
0x34: {  	v2 =	vld [tilespmem:$0x13C20]  }
0x35: {  	v3 =	vand.u32 $0xFFFF, v0  }
0x36: {  	v24 =	vld [tilespmem:$0x13C30];
	v0 =	vshra.s32 v0, $0x10;
	[tilespmem:$0x16400] =	vst v3  }
0x37: {  	v25 =	vand.u32 $0xFFFF, v1;
	[tilespmem:$0x16500] =	vst v0  }
0x38: {  	v26 =	vshra.s32 v1, $0x10;
	[tilespmem:$0x16410] =	vst v25  }
0x39: {  	v27 =	vand.u32 $0xFFFF, v2;
	[tilespmem:$0x16510] =	vst v26  }
0x3a: {  	v28 =	vshra.s32 v2, $0x10;
	[tilespmem:$0x16420] =	vst v27  }
0x3b: {  	v29 =	vand.u32 $0xFFFF, v24;
	[tilespmem:$0x16520] =	vst v28  }
0x3c: {  	v30 =	vshra.s32 v24, $0x10;
	[tilespmem:$0x16430] =	vst v29  }
0x3d: {  	s18 =	simm.s32 $0x16400;
	[tilespmem:$0x16530] =	vst v30  }
0x3e: {  	[tilespmem:s19], [sflag:$0x1] =	stream.indirect.gather [spmem:s3], $0x40, s18, s17, $0xb8;
	[tilespmem:$0x1A600] =	vst v63  }
0x3f: {  	v31 =	vld [tilespmem:$0x13C40];
	_ =	sdelay $0x1  }
0x40: {  	v32 =	vld [tilespmem:$0x13C50];
	_ =	sdelay $0x1  }
0x41: {  	v33 =	vld [tilespmem:$0x13C60]  }
0x42: {  	v34 =	vand.u32 $0xFFFF, v31  }
0x43: {  	v35 =	vld [tilespmem:$0x13C70];
	v0 =	vshra.s32 v31, $0x10;
	[tilespmem:$0x16440] =	vst v34  }
0x44: {  	v36 =	vand.u32 $0xFFFF, v32;
	[tilespmem:$0x16540] =	vst v0  }
0x45: {  	v37 =	vshra.s32 v32, $0x10;
	[tilespmem:$0x16450] =	vst v36  }
0x46: {  	v38 =	vand.u32 $0xFFFF, v33;
	[tilespmem:$0x16550] =	vst v37  }
0x47: {  	v39 =	vshra.s32 v33, $0x10;
	[tilespmem:$0x16460] =	vst v38  }
0x48: {  	v40 =	vand.u32 $0xFFFF, v35;
	[tilespmem:$0x16560] =	vst v39  }
0x49: {  	v41 =	vshra.s32 v35, $0x10;
	[tilespmem:$0x16470] =	vst v40  }
0x4a: {  	s20 =	simm.s32 $0x16440;
	s21 =	simm.s32 $0x17600;
	[tilespmem:$0x16570] =	vst v41  }
0x4b: {  	[tilespmem:s21], [sflag:$0x2] =	stream.indirect.gather [spmem:s3], $0x40, s20, s17, $0xb8;
	[tilespmem:$0x1A600] =	vst v63  }
0x4c: {  	v42 =	vld [tilespmem:$0x13C80];
	_ =	sdelay $0x1  }
0x4d: {  	v43 =	vld [tilespmem:$0x13C90];
	_ =	sdelay $0x1  }
0x4e: {  	v44 =	vld [tilespmem:$0x13CA0]  }
0x4f: {  	v45 =	vand.u32 $0xFFFF, v42  }
0x50: {  	v46 =	vld [tilespmem:$0x13CB0];
	v0 =	vshra.s32 v42, $0x10;
	[tilespmem:$0x16480] =	vst v45  }
0x51: {  	v47 =	vand.u32 $0xFFFF, v43;
	[tilespmem:$0x16580] =	vst v0  }
0x52: {  	v48 =	vshra.s32 v43, $0x10;
	[tilespmem:$0x16490] =	vst v47  }
0x53: {  	v49 =	vand.u32 $0xFFFF, v44;
	[tilespmem:$0x16590] =	vst v48  }
0x54: {  	v50 =	vshra.s32 v44, $0x10;
	[tilespmem:$0x164A0] =	vst v49  }
0x55: {  	v51 =	vand.u32 $0xFFFF, v46;
	[tilespmem:$0x165A0] =	vst v50  }
0x56: {  	v52 =	vshra.s32 v46, $0x10;
	[tilespmem:$0x164B0] =	vst v51  }
0x57: {  	[tilespmem:$0x165B0] =	vst v52  }
0x58: {  	[tilespmem:s23], [sflag:$0x3] =	stream.indirect.gather [spmem:s3], $0x40, s22, s17, $0xb8;
	[tilespmem:$0x1A600] =	vst v63  }
0x59: {  	v53 =	vld [tilespmem:$0x13CC0];
	_ =	sdelay $0x1  }
0x5a: {  	v54 =	vld [tilespmem:$0x13CD0];
	_ =	sdelay $0x1  }
0x5b: {  	v55 =	vld [tilespmem:$0x13CE0]  }
0x5c: {  	v56 =	vand.u32 $0xFFFF, v53  }
0x5d: {  	v57 =	vld [tilespmem:$0x13CF0];
	v0 =	vshra.s32 v53, $0x10;
	[tilespmem:$0x164C0] =	vst v56  }
0x5e: {  	v58 =	vand.u32 $0xFFFF, v54;
	[tilespmem:$0x165C0] =	vst v0  }
0x5f: {  	v59 =	vshra.s32 v54, $0x10;
	[tilespmem:$0x164D0] =	vst v58  }
0x60: {  	v60 =	vand.u32 $0xFFFF, v55;
	[tilespmem:$0x165D0] =	vst v59  }
0x61: {  	v61 =	vshra.s32 v55, $0x10;
	[tilespmem:$0x164E0] =	vst v60  }
0x62: {  	v62 =	vand.u32 $0xFFFF, v57;
	[tilespmem:$0x165E0] =	vst v61  }
0x63: {  	v63 =	vshra.s32 v57, $0x10;
	[tilespmem:$0x164F0] =	vst v62  }
0x64: {  	s4 =	simm.s32 $0x7C0;
	[tilespmem:$0x165F0] =	vst v63  }
0x65: {  	[tilespmem:s25], [sflag:$0x4] =	stream.indirect.gather [spmem:s3], $0x40, s24, s17, $0xb8;
	[tilespmem:$0x1A600] =	vst v63  }
.LBB2_2:
0x66: {  	_ =	swait.ge [sflag:s26], $0x1000  }
0x67: {  	[sflag:s26] =	ssyncset.done $0x0  }
0x68: {  	[sflag:s26] =	ssyncadd.s32 $0xFFFFF000  }
0x69: {  	[spmem:s1] =	stream.indirect.scatter.add.bf16 [tilespmem:s19], [sflag:$0x5], $0x40, s28, s17, $0xb8;
	[tilespmem:$0x1A600] =	vst v63  }
0x6a: {  	_ =	swait.ge [sflag:s13], $0x1000  }
0x6b: {  	p1 =	seq.s32 s4, $0xA3C0;
	[sflag:s13] =	ssyncset.done $0x0  }
0x6c: {  	s16 =	simm.s32 @p1 $0x2;
	[sflag:s13] =	ssyncadd.s32 $0xFFFFF000  }
0x6d: {  	_ =	swait.ge @p1 [sflag:s16], $0x1000  }
0x6e: {  	s18 =	simm.s32 @p1 $0x16540;
	[sflag:s16] =	ssyncset.done @p1 $0x0  }
0x6f: {  	s20 =	simm.s32 @p1 $0x17600;
	[sflag:s16] =	ssyncadd.s32 @p1 $0xFFFFF000;
	s16 =	simm.s32 @p1 $0x40  }
0x70: {  	[spmem:s1] =	stream.indirect.scatter.add.bf16 @p1 [tilespmem:s20], [sflag:$0x5], $0x40, s18, s16, $0xb8;
	[tilespmem:$0x1A600] =	vst v63  }
0x71: {  	s16 =	simm.s32 @p1 $0x5  }
0x72: {  	_ =	swait.ge @p1 [sflag:s16], $0x1000  }
0x73: {  	[sflag:s16] =	ssyncset.done @p1 $0x0  }
0x74: {  	[sflag:s16] =	ssyncadd.s32 @p1 $0xFFFFF000;
	s16 =	sshra.s32 @!p1 s4, $0x2  }
0x75: {  	v0 =	vld @!p1 [tilespmem:s16+$0x13B10];
	_ =	sdelay $0x4  }
0x76: {  	v1 =	vand.u32 @!p1 $0xFFFF, v0  }
0x77: {  	v0 =	vshra.s32 @!p1 v0, $0x10;
	[tilespmem:$0x16400] =	vst @!p1 v1  }
0x78: {  	[tilespmem:$0x16500] =	vst @!p1 v0  }
0x79: {  	v0 =	vld @!p1 [tilespmem:s16+$0x13B20];
	_ =	sdelay $0x4  }
0x7a: {  	v1 =	vand.u32 @!p1 $0xFFFF, v0  }
0x7b: {  	v0 =	vshra.s32 @!p1 v0, $0x10;
	[tilespmem:$0x16410] =	vst @!p1 v1  }
0x7c: {  	[tilespmem:$0x16510] =	vst @!p1 v0  }
0x7d: {  	v0 =	vld @!p1 [tilespmem:s16+$0x13B30];
	_ =	sdelay $0x4  }
0x7e: {  	v1 =	vand.u32 @!p1 $0xFFFF, v0  }
0x7f: {  	v0 =	vshra.s32 @!p1 v0, $0x10;
	[tilespmem:$0x16420] =	vst @!p1 v1  }
0x80: {  	[tilespmem:$0x16520] =	vst @!p1 v0  }
0x81: {  	v0 =	vld @!p1 [tilespmem:s16+$0x13B40];
	_ =	sdelay $0x4  }
0x82: {  	v1 =	vand.u32 @!p1 $0xFFFF, v0  }
0x83: {  	v0 =	vshra.s32 @!p1 v0, $0x10;
	[tilespmem:$0x16430] =	vst @!p1 v1  }
0x84: {  	s21 =	simm.s32 @!p1 $0x16600;
	s18 =	simm.s32 @!p1 $0x40;
	s20 =	simm.s32 @!p1 $0x16400;
	[tilespmem:$0x16530] =	vst @!p1 v0  }
0x85: {  	[tilespmem:s21], [sflag:$0x1] =	stream.indirect.gather @!p1 [spmem:s3], $0x40, s20, s18, $0xb8;
	[tilespmem:$0x1A600] =	vst v63  }
0x86: {  	s20 =	simm.s32 @!p1 $0x2  }
0x87: {  	_ =	swait.ge @!p1 [sflag:s20], $0x1000  }
0x88: {  	[sflag:s20] =	ssyncset.done @!p1 $0x0  }
0x89: {  	s21 =	simm.s32 @!p1 $0x17600;
	[sflag:s20] =	ssyncadd.s32 @!p1 $0xFFFFF000;
	s20 =	simm.s32 @!p1 $0x16540  }
0x8a: {  	[spmem:s1] =	stream.indirect.scatter.add.bf16 @!p1 [tilespmem:s21], [sflag:$0x5], $0x40, s20, s18, $0xb8;
	[tilespmem:$0x1A600] =	vst v63  }
0x8b: {  	s20 =	simm.s32 @!p1 $0x5  }
0x8c: {  	_ =	swait.ge @!p1 [sflag:s20], $0x1000  }
0x8d: {  	[sflag:s20] =	ssyncset.done @!p1 $0x0  }
0x8e: {  	[sflag:s20] =	ssyncadd.s32 @!p1 $0xFFFFF000  }
0x8f: {  	v0 =	vld @!p1 [tilespmem:s16+$0x13B50];
	_ =	sdelay $0x4  }
0x90: {  	v1 =	vand.u32 @!p1 $0xFFFF, v0  }
0x91: {  	v0 =	vshra.s32 @!p1 v0, $0x10;
	[tilespmem:$0x16440] =	vst @!p1 v1  }
0x92: {  	[tilespmem:$0x16540] =	vst @!p1 v0  }
0x93: {  	v0 =	vld @!p1 [tilespmem:s16+$0x13B60];
	_ =	sdelay $0x4  }
0x94: {  	v1 =	vand.u32 @!p1 $0xFFFF, v0  }
0x95: {  	v0 =	vshra.s32 @!p1 v0, $0x10;
	[tilespmem:$0x16450] =	vst @!p1 v1  }
0x96: {  	[tilespmem:$0x16550] =	vst @!p1 v0  }
0x97: {  	v0 =	vld @!p1 [tilespmem:s16+$0x13B70];
	_ =	sdelay $0x4  }
0x98: {  	v1 =	vand.u32 @!p1 $0xFFFF, v0  }
0x99: {  	v0 =	vshra.s32 @!p1 v0, $0x10;
	[tilespmem:$0x16460] =	vst @!p1 v1  }
0x9a: {  	[tilespmem:$0x16560] =	vst @!p1 v0  }
0x9b: {  	v0 =	vld @!p1 [tilespmem:s16+$0x13B80];
	_ =	sdelay $0x4  }
0x9c: {  	v1 =	vand.u32 @!p1 $0xFFFF, v0  }
0x9d: {  	v0 =	vshra.s32 @!p1 v0, $0x10;
	[tilespmem:$0x16470] =	vst @!p1 v1  }
0x9e: {  	s16 =	simm.s32 @!p1 $0x16440;
	[tilespmem:$0x16570] =	vst @!p1 v0  }
0x9f: {  	[tilespmem:s21], [sflag:$0x2] =	stream.indirect.gather @!p1 [spmem:s3], $0x40, s16, s18, $0xb8;
	[tilespmem:$0x1A600] =	vst v63  }
0xa0: {  	_ =	swait.ge [sflag:s29], $0x1000  }
0xa1: {  	[sflag:s29] =	ssyncset.done $0x0  }
.Ltmp2:
0xa2: {  	[sflag:s29] =	ssyncadd.s32 $0xFFFFF000;
	(pc) =	sbr.rel @p1 .LBB2_4-.Ltmp2, $4  }
0xa3: {  	[spmem:s1] =	stream.indirect.scatter.add.bf16 [tilespmem:s23], [sflag:$0x5], $0x40, s30, s17, $0xb8;
	[tilespmem:$0x1A600] =	vst v63  }
0xa4: {  	_ =	swait.ge [sflag:s13], $0x1000  }
0xa5: {  	[sflag:s13] =	ssyncset.done $0x0  }
0xa6: {  	[sflag:s13] =	ssyncadd.s32 $0xFFFFF000  }
0xa7: {  	s16 =	sshra.s32 s4, $0x2  }
0xa8: {  	v0 =	vld [tilespmem:s16+$0x13B90];
	_ =	sdelay $0x4  }
0xa9: {  	v1 =	vand.u32 $0xFFFF, v0  }
0xaa: {  	v0 =	vshra.s32 v0, $0x10;
	[tilespmem:$0x16480] =	vst v1  }
0xab: {  	[tilespmem:$0x16580] =	vst v0  }
0xac: {  	v0 =	vld [tilespmem:s16+$0x13BA0];
	_ =	sdelay $0x4  }
0xad: {  	v56 =	vand.u32 $0xFFFF, v0  }
0xae: {  	v0 =	vshra.s32 v0, $0x10;
	[tilespmem:$0x16490] =	vst v56  }
0xaf: {  	[tilespmem:$0x16590] =	vst v0  }
0xb0: {  	v0 =	vld [tilespmem:s16+$0x13BB0];
	_ =	sdelay $0x4  }
0xb1: {  	v57 =	vand.u32 $0xFFFF, v0  }
0xb2: {  	v0 =	vshra.s32 v0, $0x10;
	[tilespmem:$0x164A0] =	vst v57  }
0xb3: {  	[tilespmem:$0x165A0] =	vst v0  }
0xb4: {  	v0 =	vld [tilespmem:s16+$0x13BC0];
	_ =	sdelay $0x4  }
0xb5: {  	v58 =	vand.u32 $0xFFFF, v0  }
0xb6: {  	v0 =	vshra.s32 v0, $0x10;
	[tilespmem:$0x164B0] =	vst v58  }
0xb7: {  	[tilespmem:$0x165B0] =	vst v0  }
0xb8: {  	[tilespmem:s23], [sflag:$0x3] =	stream.indirect.gather [spmem:s3], $0x40, s22, s17, $0xb8;
	[tilespmem:$0x1A600] =	vst v63  }
0xb9: {  	_ =	swait.ge [sflag:s31], $0x1000  }
0xba: {  	[sflag:s31] =	ssyncset.done $0x0  }
0xbb: {  	[sflag:s31] =	ssyncadd.s32 $0xFFFFF000  }
0xbc: {  	[spmem:s1] =	stream.indirect.scatter.add.bf16 [tilespmem:s25], [sflag:$0x5], $0x40, s0, s17, $0xb8;
	[tilespmem:$0x1A600] =	vst v63  }
0xbd: {  	_ =	swait.ge [sflag:s13], $0x1000  }
0xbe: {  	[sflag:s13] =	ssyncset.done $0x0  }
0xbf: {  	[sflag:s13] =	ssyncadd.s32 $0xFFFFF000  }
0xc0: {  	v59 =	vld [tilespmem:s16+$0x13BD0];
	_ =	sdelay $0x4  }
0xc1: {  	v60 =	vand.u32 $0xFFFF, v59  }
0xc2: {  	v0 =	vshra.s32 v59, $0x10;
	[tilespmem:$0x164C0] =	vst v60  }
0xc3: {  	[tilespmem:$0x165C0] =	vst v0  }
0xc4: {  	v0 =	vld [tilespmem:s16+$0x13BE0];
	_ =	sdelay $0x4  }
0xc5: {  	v61 =	vand.u32 $0xFFFF, v0  }
0xc6: {  	v0 =	vshra.s32 v0, $0x10;
	[tilespmem:$0x164D0] =	vst v61  }
0xc7: {  	[tilespmem:$0x165D0] =	vst v0  }
0xc8: {  	v0 =	vld [tilespmem:s16+$0x13BF0];
	_ =	sdelay $0x4  }
0xc9: {  	v62 =	vand.u32 $0xFFFF, v0  }
0xca: {  	v0 =	vshra.s32 v0, $0x10;
	[tilespmem:$0x164E0] =	vst v62  }
0xcb: {  	[tilespmem:$0x165E0] =	vst v0  }
0xcc: {  	v0 =	vld [tilespmem:s16+$0x13C00];
	_ =	sdelay $0x3  }
.Ltmp3:
0xcd: {  	_ = 	snop;
	(pc) =	sbr.rel .LBB2_2-.Ltmp3, $4  }
0xce: {  	v63 =	vand.u32 $0xFFFF, v0  }
0xcf: {  	v0 =	vshra.s32 v0, $0x10;
	[tilespmem:$0x164F0] =	vst v63  }
0xd0: {  	s4 =	sadd.s32 $0x400, s4;
	[tilespmem:$0x165F0] =	vst v0  }
0xd1: {  	[tilespmem:s25], [sflag:$0x4] =	stream.indirect.gather [spmem:s3], $0x40, s24, s17, $0xb8;
	[tilespmem:$0x1A600] =	vst v63  }
.LBB2_5:
0xd2: {  	_ =	sfence.sel $0x180000  }
0xd3: {  	[bflag:$0x0] =	sbarrier.arrive $0xFFFF  }
0xd4: {  	_ =	strace $0x90000047  }
0xd5: {  	s0 =	stileid.u32;
	[bflag:$0x2] =	sbarrier.arrive $0xFFFF  }
0xd6: {  	p0 =	sne.s32 s0, $0x0;
	s0 =	rddreg [dreg:$0x4]  }
0xd7: {  	s0 =	sadd.s32 @!p0 $0x100000, s0  }
0xd8: {  	[sflag:s0] =	ssyncadd.tile.s32 @!p0 $0x1;
	_ =	shalt  }
.Lfunc_end2:
_tile_overlayer_lowered:
.L_overlay_start_2:
0xd9: {  	(tag) =	ssettag $0x2  }
0xda: {  	s0 =	rddreg [dreg:$0x0];
	s2 =	stileid.u32  }
0xdb: {  	s1 =	rddreg [dreg:$0x1];
	p0 =	sne.s32 s2, $0x0  }
0xdc: {  	s3 =	rddreg [dreg:$0x2];
	[bflag:$0x3] =	sbarrier.arrive $0xFFFF;
	s2 =	simm.s32 @!p0 $0x1C05  }
0xdd: {  	[timem:s3], [sflag:s2] =	dma.local @!p0 [hbm:s0], s1  }
0xde: {  	s0 =	simm.s32 @!p0 $0x5  }
0xdf: {  	_ =	swait.ge @!p0 [sflag:s0], s1  }
0xe0: {  	s1 =	ssub.s32 @!p0 $0x0, s1;
	[sflag:s0] =	ssyncset.done @!p0 $0x0  }
0xe1: {  	[sflag:s0] =	ssyncadd.s32 @!p0 s1  }
0xe2: {  	[bflag:$0x3] =	sbarrier.arrive $0xFFFF  }
0xe3: {  	_ =	shalt  }

</sc_bundles>
